<compile_context>
chip_gen: v7x
topology: tpu7x:2x2x1
jax: 0.10.2.dev20260603
libtpu: 0.0.44.dev20260713+nightly
codegen_flags: <defaults>
</compile_context>

<pallas_src>
import functools

import jax
import jax.numpy as jnp
from jax import lax
from jax.experimental import pallas as pl
from jax.experimental.pallas import tpu as pltpu
from jax.experimental.pallas import tpu_sc as plsc

N_SEGMENTS = 10000
N_ELEMS = 320000
D = 128

NC = 2
NS = 16
HALF = N_SEGMENTS // 2
ROWS_PER_TILE = 320
ACC_ROWS = HALF + 8
CB = 128


@functools.cache
def _build_kernel():
    mesh = plsc.VectorSubcoreMesh(core_axis_name="c", subcore_axis_name="s",
                                  num_cores=NC, num_subcores=NS)

    @functools.partial(
        pl.kernel,
        out_type=jax.ShapeDtypeStruct((N_SEGMENTS, D), jnp.float32),
        mesh=mesh,
        scratch_types=[
            pltpu.VMEM_SHARED((ACC_ROWS, D), jnp.float32),
            pltpu.VMEM((CB, D), jnp.float32),
            pltpu.VMEM((CB, D), jnp.float32),
            pltpu.VMEM((CB,), jnp.int32),
            pltpu.VMEM((CB,), jnp.int32),
            pltpu.VMEM((16,), jnp.int32),
            pltpu.SemaphoreType.DMA,
            pltpu.SemaphoreType.DMA,
        ],
    )
    def _scatter_add_kernel(u_hbm, v_hbm, batch_hbm, split_hbm, out_hbm,
                            acc, vbuf0, vbuf1, ibuf0, ibuf1, split_v,
                            sem0, sem1):
        c = lax.axis_index("c")
        t = lax.axis_index("s")

        pltpu.sync_copy(split_hbm, split_v)
        split = split_v[...][0]

        r0 = jnp.minimum(t * ROWS_PER_TILE, HALF - ROWS_PER_TILE)
        pltpu.sync_copy(u_hbm.at[pl.ds(c * HALF + r0, ROWS_PER_TILE), :],
                        acc.at[pl.ds(r0, ROWS_PER_TILE), :])
        plsc.subcore_barrier()

        base = jnp.where(c == 0, 0, split)
        length = jnp.where(c == 0, split, N_ELEMS - split)
        chunk = (length + NS - 1) // NS
        lo = base + jnp.minimum(t * chunk, length)
        hi = base + jnp.minimum((t + 1) * chunk, length)
        alo = (lo // 8) * 8
        num_chunks = jnp.maximum(0, (hi - alo + CB - 1) // CB)
        seg_base = c * HALF

        def chunk_start(k):
            s_orig = alo + k * CB
            return jnp.minimum(s_orig, N_ELEMS - CB), s_orig

        def issue(k, vbuf, ibuf, sem):
            s, _ = chunk_start(k)
            pltpu.async_copy(v_hbm.at[pl.ds(s, CB), :], vbuf, sem)
            pltpu.async_copy(batch_hbm.at[pl.ds(s, CB)], ibuf, sem)

        def drain(vbuf, ibuf, sem):
            pltpu.make_async_copy(v_hbm.at[pl.ds(0, CB), :], vbuf, sem).wait()
            pltpu.make_async_copy(batch_hbm.at[pl.ds(0, CB)], ibuf, sem).wait()

        def process(k, vbuf, ibuf):
            s, s_orig = chunk_start(k)
            for j in range(CB // 16):
                idx = ibuf[pl.ds(j * 16, 16)]
                g = s + j * 16 + lax.iota(jnp.int32, 16)
                valid = (g >= lo) & (g < hi) & (g >= s_orig)
                ibuf[pl.ds(j * 16, 16)] = jnp.where(valid, idx - seg_base,
                                                    HALF)
            pltpu.sync_copy(vbuf, acc.at[ibuf], add=True)

        @pl.when(num_chunks > 0)
        def _():
            issue(0, vbuf0, ibuf0, sem0)

        def body(kk, carry):
            k0 = kk * 2
            k1 = k0 + 1

            @pl.when(k1 < num_chunks)
            def _():
                issue(k1, vbuf1, ibuf1, sem1)

            drain(vbuf0, ibuf0, sem0)
            process(k0, vbuf0, ibuf0)

            @pl.when(k0 + 2 < num_chunks)
            def _():
                issue(k0 + 2, vbuf0, ibuf0, sem0)

            @pl.when(k1 < num_chunks)
            def _():
                drain(vbuf1, ibuf1, sem1)
                process(k1, vbuf1, ibuf1)

            return carry

        lax.fori_loop(0, (num_chunks + 1) // 2, body, 0)
        plsc.subcore_barrier()

        pltpu.sync_copy(acc.at[pl.ds(r0, ROWS_PER_TILE), :],
                        out_hbm.at[pl.ds(c * HALF + r0, ROWS_PER_TILE), :])

    return _scatter_add_kernel


def kernel(u, v, batch):
    batch = batch.astype(jnp.int32)
    split = jnp.searchsorted(batch, jnp.int32(HALF), side="left")
    split_arr = jnp.full((16,), split, dtype=jnp.int32)
    return _build_kernel()(u, v, batch, split_arr)

# --- scband reference (transcript-rebuilt; emitter-appended) ---
"""Pipeline reference for scband-update-u-40638980555087 (READ-ONLY COPY).

The authoritative reference and input builder live on the scoring server;
editing this copy changes nothing except your own understanding.
"""

import jax, jax.numpy as jnp
import numpy as np

N_SEGMENTS = 10000
N_ELEMS = 320000
D = 128

def setup_inputs(seed: int = 0) -> dict:
    key = jax.random.key(seed)
    k1, k2, k3 = jax.random.split(key, 3)
    u = jax.random.normal(k1, (N_SEGMENTS, D), dtype=jnp.float32)
    v = jax.random.normal(k2, (N_ELEMS, D), dtype=jnp.float32)
    batch = jnp.sort(jax.random.randint(k3, (N_ELEMS,), 0, N_SEGMENTS, dtype=jnp.int64))
    return {"u": u, "v": v, "batch": batch}

def reference(u, v, batch):
    # u += scatter(v, batch, dim=0)  -- default scatter reduce is sum
    seg = jax.ops.segment_sum(v, batch, num_segments=u.shape[0])
    return u + seg

if __name__ == "__main__":
    import jax
    _d = setup_inputs()
    print(jax.jit(kernel)(*tuple(_d.values())))

</pallas_src>

<mosaic_0001>
#map = affine_map<(d0, d1) -> (0, 0)>
#map1 = affine_map<(d0, d1) -> (0)>
module attributes {stable_mosaic.version = 14 : i64} {
  func.func @_scatter_add_kernel(%arg0: i32, %arg1: i32, %arg2: memref<10000x128xf32, #tpu.memory_space<hbm>>, %arg3: memref<320000x128xf32, #tpu.memory_space<hbm>>, %arg4: memref<320000xi32, #tpu.memory_space<hbm>>, %arg5: memref<16xi32, #tpu.memory_space<hbm>>, %arg6: memref<10000x128xf32, #tpu.memory_space<hbm>>, %arg7: memref<5008x128xf32, #tpu.memory_space<vmem_shared>>, %arg8: memref<128x128xf32, #tpu.memory_space<vmem>>, %arg9: memref<128x128xf32, #tpu.memory_space<vmem>>, %arg10: memref<128xi32, #tpu.memory_space<vmem>>, %arg11: memref<128xi32, #tpu.memory_space<vmem>>, %arg12: memref<16xi32, #tpu.memory_space<vmem>>, %arg13: memref<!tpu.dma_semaphore, #tpu.memory_space<semaphore_mem>>, %arg14: memref<!tpu.dma_semaphore, #tpu.memory_space<semaphore_mem>>) attributes {dimension_semantics = [#tpu.dimension_semantics<core_parallel>, #tpu.dimension_semantics<subcore_parallel>], iteration_bounds = array<i64: 2, 16>, scalar_prefetch = 0 : i64, scratch_operands = 8 : i64, tpu.core_type = #tpu.core_type<sc_vector_subcore>, window_params = [{transform_indices = #map}, {transform_indices = #map}, {transform_indices = #map1}, {transform_indices = #map1}, {transform_indices = #map}]} {
    "tpu.region"() ({
      %run_scoped3A = tpu.sem_alloc : memref<!tpu.dma_semaphore, #tpu.memory_space<semaphore_mem>>
      tpu.enqueue_dma source(%arg5 : memref<16xi32, #tpu.memory_space<hbm>>) target(%arg12 : memref<16xi32, #tpu.memory_space<vmem>>) target_semaphore(%run_scoped3A : memref<!tpu.dma_semaphore, #tpu.memory_space<semaphore_mem>>)
      tpu.wait_dma2 semaphore(%run_scoped3A : memref<!tpu.dma_semaphore, #tpu.memory_space<semaphore_mem>>) src(%arg5 : memref<16xi32, #tpu.memory_space<hbm>>) dst(%arg12 : memref<16xi32, #tpu.memory_space<vmem>>)
      tpu.yield
    }) : () -> ()
    %get3A = arith.constant 0 : index
    %get3A_0 = tpu.vector_load %arg12[%get3A] {strides = array<i32>} : memref<16xi32, #tpu.memory_space<vmem>>, vector<16xi32>,
    %get3A_1 = vector.shape_cast %get3A_0 : vector<16xi32> to vector<16xi32>
    %slice3A = vector.extract_strided_slice %get3A_1 {offsets = [0], sizes = [1], strides = [1]} : vector<16xi32> to vector<1xi32>
    %squeeze3A = vector.extract %slice3A[0] : i32 from vector<1xi32>
    %mul3A = arith.constant 320 : i32
    %mul3A_2 = arith.muli %arg1, %mul3A : i32
    %min3A = arith.constant 4680 : i32
    %min3A_3 = arith.minsi %mul3A_2, %min3A : i32
    %mul3A_4 = arith.constant 5000 : i32
    %mul3A_5 = arith.muli %arg0, %mul3A_4 : i32
    %add3A = arith.addi %mul3A_5, %min3A_3 : i32
    "tpu.region"() ({
      %run_scoped3A = tpu.sem_alloc : memref<!tpu.dma_semaphore, #tpu.memory_space<semaphore_mem>>
      %dma_start3A = arith.constant 0 : i32
      %dma_start3A_141 = tpu.memref_slice %arg7[%min3A_3, %dma_start3A] : memref<5008x128xf32, #tpu.memory_space<vmem_shared>> -> memref<320x128xf32, #tpu.memory_space<vmem_shared>>
      %dma_start3A_142 = arith.constant 0 : i32
      %dma_start3A_143 = tpu.memref_slice %arg2[%add3A, %dma_start3A_142] : memref<10000x128xf32, #tpu.memory_space<hbm>> -> memref<320x128xf32, #tpu.memory_space<hbm>>
      tpu.enqueue_dma source(%dma_start3A_143 : memref<320x128xf32, #tpu.memory_space<hbm>>) target(%dma_start3A_141 : memref<320x128xf32, #tpu.memory_space<vmem_shared>>) target_semaphore(%run_scoped3A : memref<!tpu.dma_semaphore, #tpu.memory_space<semaphore_mem>>)
      %dma_wait3A = arith.constant 0 : i32
      %dma_wait3A_144 = tpu.memref_slice %arg7[%min3A_3, %dma_wait3A] : memref<5008x128xf32, #tpu.memory_space<vmem_shared>> -> memref<320x128xf32, #tpu.memory_space<vmem_shared>>
      %dma_wait3A_145 = arith.constant 0 : i32
      %dma_wait3A_146 = tpu.memref_slice %arg2[%add3A, %dma_wait3A_145] : memref<10000x128xf32, #tpu.memory_space<hbm>> -> memref<320x128xf32, #tpu.memory_space<hbm>>
      tpu.wait_dma2 semaphore(%run_scoped3A : memref<!tpu.dma_semaphore, #tpu.memory_space<semaphore_mem>>) src(%dma_wait3A_146 : memref<320x128xf32, #tpu.memory_space<hbm>>) dst(%dma_wait3A_144 : memref<320x128xf32, #tpu.memory_space<vmem_shared>>)
      tpu.yield
    }) : () -> ()
    %barrier3A = arith.constant 0 : index
    tpu.barrier barrier_id(%barrier3A)
    %eq3A = arith.constant 0 : i32
    %eq3A_6 = arith.cmpi eq, %arg0, %eq3A : i32
    %jit3A = arith.constant 0 : i32
    %select_n3A = arith.select %eq3A_6, %jit3A, %squeeze3A : i32
    %eq3A_7 = arith.constant 0 : i32
    %eq3A_8 = arith.cmpi eq, %arg0, %eq3A_7 : i32
    %sub3A = arith.constant 320000 : i32
    %sub3A_9 = arith.subi %sub3A, %squeeze3A : i32
    %select_n3A_10 = arith.select %eq3A_8, %squeeze3A, %sub3A_9 : i32
    %add3A_11 = arith.constant 16 : i32
    %add3A_12 = arith.addi %select_n3A_10, %add3A_11 : i32
    %sub3A_13 = arith.constant 1 : i32
    %sub3A_14 = arith.subi %add3A_12, %sub3A_13 : i32
    %jit3A_15 = arith.constant 16 : i32
    %div3A = arith.divsi %sub3A_14, %jit3A_15 : i32
    %sign3A = arith.constant 0 : i32
    %sign3A_16 = arith.cmpi sgt, %sub3A_14, %sign3A : i32
    %sign3A_17 = arith.extui %sign3A_16 : i1 to i32
    %sign3A_18 = arith.constant 0 : i32
    %sign3A_19 = arith.cmpi slt, %sub3A_14, %sign3A_18 : i32
    %sign3A_20 = arith.extui %sign3A_19 : i1 to i32
    %sign3A_21 = arith.subi %sign3A_17, %sign3A_20 : i32
    %sign3A_22 = arith.constant 0 : i32
    %sign3A_23 = arith.cmpi sgt, %jit3A_15, %sign3A_22 : i32
    %sign3A_24 = arith.extui %sign3A_23 : i1 to i32
    %sign3A_25 = arith.constant 0 : i32
    %sign3A_26 = arith.cmpi slt, %jit3A_15, %sign3A_25 : i32
    %sign3A_27 = arith.extui %sign3A_26 : i1 to i32
    %sign3A_28 = arith.subi %sign3A_24, %sign3A_27 : i32
    %ne3A = arith.cmpi ne, %sign3A_21, %sign3A_28 : i32
    %rem3A = arith.remsi %sub3A_14, %jit3A_15 : i32
    %ne3A_29 = arith.constant 0 : i32
    %ne3A_30 = arith.cmpi ne, %rem3A, %ne3A_29 : i32
    %and3A = arith.andi %ne3A, %ne3A_30 : i1
    %sub3A_31 = arith.constant 1 : i32
    %sub3A_32 = arith.subi %div3A, %sub3A_31 : i32
    %select_n3A_33 = arith.select %and3A, %sub3A_32, %div3A : i32
    %mul3A_34 = arith.muli %arg1, %select_n3A_33 : i32
    %min3A_35 = arith.minsi %mul3A_34, %select_n3A_10 : i32
    %add3A_36 = arith.addi %select_n3A, %min3A_35 : i32
    %add3A_37 = arith.constant 1 : i32
    %add3A_38 = arith.addi %arg1, %add3A_37 : i32
    %mul3A_39 = arith.muli %add3A_38, %select_n3A_33 : i32
    %min3A_40 = arith.minsi %mul3A_39, %select_n3A_10 : i32
    %add3A_41 = arith.addi %select_n3A, %min3A_40 : i32
    %jit3A_42 = arith.constant 8 : i32
    %div3A_43 = arith.divsi %add3A_36, %jit3A_42 : i32
    %sign3A_44 = arith.constant 0 : i32
    %sign3A_45 = arith.cmpi sgt, %add3A_36, %sign3A_44 : i32
    %sign3A_46 = arith.extui %sign3A_45 : i1 to i32
    %sign3A_47 = arith.constant 0 : i32
    %sign3A_48 = arith.cmpi slt, %add3A_36, %sign3A_47 : i32
    %sign3A_49 = arith.extui %sign3A_48 : i1 to i32
    %sign3A_50 = arith.subi %sign3A_46, %sign3A_49 : i32
    %sign3A_51 = arith.constant 0 : i32
    %sign3A_52 = arith.cmpi sgt, %jit3A_42, %sign3A_51 : i32
    %sign3A_53 = arith.extui %sign3A_52 : i1 to i32
    %sign3A_54 = arith.constant 0 : i32
    %sign3A_55 = arith.cmpi slt, %jit3A_42, %sign3A_54 : i32
    %sign3A_56 = arith.extui %sign3A_55 : i1 to i32
    %sign3A_57 = arith.subi %sign3A_53, %sign3A_56 : i32
    %ne3A_58 = arith.cmpi ne, %sign3A_50, %sign3A_57 : i32
    %rem3A_59 = arith.remsi %add3A_36, %jit3A_42 : i32
    %ne3A_60 = arith.constant 0 : i32
    %ne3A_61 = arith.cmpi ne, %rem3A_59, %ne3A_60 : i32
    %and3A_62 = arith.andi %ne3A_58, %ne3A_61 : i1
    %sub3A_63 = arith.constant 1 : i32
    %sub3A_64 = arith.subi %div3A_43, %sub3A_63 : i32
    %select_n3A_65 = arith.select %and3A_62, %sub3A_64, %div3A_43 : i32
    %mul3A_66 = arith.constant 8 : i32
    %mul3A_67 = arith.muli %select_n3A_65, %mul3A_66 : i32
    %sub3A_68 = arith.subi %add3A_41, %mul3A_67 : i32
    %add3A_69 = arith.constant 128 : i32
    %add3A_70 = arith.addi %sub3A_68, %add3A_69 : i32
    %sub3A_71 = arith.constant 1 : i32
    %sub3A_72 = arith.subi %add3A_70, %sub3A_71 : i32
    %jit3A_73 = arith.constant 128 : i32
    %div3A_74 = arith.divsi %sub3A_72, %jit3A_73 : i32
    %sign3A_75 = arith.constant 0 : i32
    %sign3A_76 = arith.cmpi sgt, %sub3A_72, %sign3A_75 : i32
    %sign3A_77 = arith.extui %sign3A_76 : i1 to i32
    %sign3A_78 = arith.constant 0 : i32
    %sign3A_79 = arith.cmpi slt, %sub3A_72, %sign3A_78 : i32
    %sign3A_80 = arith.extui %sign3A_79 : i1 to i32
    %sign3A_81 = arith.subi %sign3A_77, %sign3A_80 : i32
    %sign3A_82 = arith.constant 0 : i32
    %sign3A_83 = arith.cmpi sgt, %jit3A_73, %sign3A_82 : i32
    %sign3A_84 = arith.extui %sign3A_83 : i1 to i32
    %sign3A_85 = arith.constant 0 : i32
    %sign3A_86 = arith.cmpi slt, %jit3A_73, %sign3A_85 : i32
    %sign3A_87 = arith.extui %sign3A_86 : i1 to i32
    %sign3A_88 = arith.subi %sign3A_84, %sign3A_87 : i32
    %ne3A_89 = arith.cmpi ne, %sign3A_81, %sign3A_88 : i32
    %rem3A_90 = arith.remsi %sub3A_72, %jit3A_73 : i32
    %ne3A_91 = arith.constant 0 : i32
    %ne3A_92 = arith.cmpi ne, %rem3A_90, %ne3A_91 : i32
    %and3A_93 = arith.andi %ne3A_89, %ne3A_92 : i1
    %sub3A_94 = arith.constant 1 : i32
    %sub3A_95 = arith.subi %div3A_74, %sub3A_94 : i32
    %select_n3A_96 = arith.select %and3A_93, %sub3A_95, %div3A_74 : i32
    %max3A = arith.constant 0 : i32
    %max3A_97 = arith.maxsi %max3A, %select_n3A_96 : i32
    %mul3A_98 = arith.constant 5000 : i32
    %mul3A_99 = arith.muli %arg0, %mul3A_98 : i32
    %gt3A = arith.constant 0 : i32
    %gt3A_100 = arith.cmpi sgt, %max3A_97, %gt3A : i32
    %convert_element_type3A = arith.extui %gt3A_100 : i1 to i32
    %cond3A = arith.constant 0 : i32
    %cond3A_101 = arith.cmpi ne, %convert_element_type3A, %cond3A : i32
    scf.if %cond3A_101 {
      %add3A_141 = arith.constant 0 : i32
      %add3A_142 = arith.addi %mul3A_67, %add3A_141 : i32
      %min3A_143 = arith.constant 319872 : i32
      %min3A_144 = arith.minsi %add3A_142, %min3A_143 : i32
      %dma_start3A = arith.constant 0 : i32
      %dma_start3A_145 = tpu.memref_slice %arg3[%min3A_144, %dma_start3A] : memref<320000x128xf32, #tpu.memory_space<hbm>> -> memref<128x128xf32, #tpu.memory_space<hbm>>
      %dma_start3A_146 = arith.constant 0 : i32
      %dma_start3A_147 = tpu.memref_slice %arg3[%min3A_144, %dma_start3A_146] : memref<320000x128xf32, #tpu.memory_space<hbm>> -> memref<128x128xf32, #tpu.memory_space<hbm>>
      tpu.enqueue_dma source(%dma_start3A_147 : memref<128x128xf32, #tpu.memory_space<hbm>>) target(%arg8 : memref<128x128xf32, #tpu.memory_space<vmem>>) target_semaphore(%arg13 : memref<!tpu.dma_semaphore, #tpu.memory_space<semaphore_mem>>)
      %dma_start3A_148 = tpu.memref_slice %arg4[%min3A_144] : memref<320000xi32, #tpu.memory_space<hbm>> -> memref<128xi32, #tpu.memory_space<hbm>>
      %dma_start3A_149 = tpu.memref_slice %arg4[%min3A_144] : memref<320000xi32, #tpu.memory_space<hbm>> -> memref<128xi32, #tpu.memory_space<hbm>>
      tpu.enqueue_dma source(%dma_start3A_149 : memref<128xi32, #tpu.memory_space<hbm>>) target(%arg10 : memref<128xi32, #tpu.memory_space<vmem>>) target_semaphore(%arg13 : memref<!tpu.dma_semaphore, #tpu.memory_space<semaphore_mem>>)
    } else {
    }
    %add3A_102 = arith.constant 1 : i32
    %add3A_103 = arith.addi %max3A_97, %add3A_102 : i32
    %jit3A_104 = arith.constant 2 : i32
    %div3A_105 = arith.divsi %add3A_103, %jit3A_104 : i32
    %sign3A_106 = arith.constant 0 : i32
    %sign3A_107 = arith.cmpi sgt, %add3A_103, %sign3A_106 : i32
    %sign3A_108 = arith.extui %sign3A_107 : i1 to i32
    %sign3A_109 = arith.constant 0 : i32
    %sign3A_110 = arith.cmpi slt, %add3A_103, %sign3A_109 : i32
    %sign3A_111 = arith.extui %sign3A_110 : i1 to i32
    %sign3A_112 = arith.subi %sign3A_108, %sign3A_111 : i32
    %sign3A_113 = arith.constant 0 : i32
    %sign3A_114 = arith.cmpi sgt, %jit3A_104, %sign3A_113 : i32
    %sign3A_115 = arith.extui %sign3A_114 : i1 to i32
    %sign3A_116 = arith.constant 0 : i32
    %sign3A_117 = arith.cmpi slt, %jit3A_104, %sign3A_116 : i32
    %sign3A_118 = arith.extui %sign3A_117 : i1 to i32
    %sign3A_119 = arith.subi %sign3A_115, %sign3A_118 : i32
    %ne3A_120 = arith.cmpi ne, %sign3A_112, %sign3A_119 : i32
    %rem3A_121 = arith.remsi %add3A_103, %jit3A_104 : i32
    %ne3A_122 = arith.constant 0 : i32
    %ne3A_123 = arith.cmpi ne, %rem3A_121, %ne3A_122 : i32
    %and3A_124 = arith.andi %ne3A_120, %ne3A_123 : i1
    %sub3A_125 = arith.constant 1 : i32
    %sub3A_126 = arith.subi %div3A_105, %sub3A_125 : i32
    %select_n3A_127 = arith.select %and3A_124, %sub3A_126, %div3A_105 : i32
    %while3A = arith.constant 0 : i32
    %while3A_128 = arith.constant 0 : i32
    %while3A_129 = arith.subi %select_n3A_127, %while3A_128 : i32
    %while3A_130 = arith.addi %while3A_128, %while3A_129 : i32
    %while3A_131 = arith.constant 1 : i32
    %while3A_132 = arith.divsi %while3A_129, %while3A_131 : i32
    %while3A_133 = arith.muli %while3A_132, %while3A_131 : i32
    %while3A_134 = arith.addi %while3A_128, %while3A_133 : i32
    %while3A_135 = arith.constant 1 : i32
    scf.for %while3A_141 = %while3A_128 to %while3A_134 step %while3A_135  : i32 {
      %mul3A_142 = arith.constant 2 : i32
      %mul3A_143 = arith.muli %while3A_141, %mul3A_142 : i32
      %add3A_144 = arith.constant 1 : i32
      %add3A_145 = arith.addi %mul3A_143, %add3A_144 : i32
      %lt3A = arith.cmpi slt, %add3A_145, %max3A_97 : i32
      %convert_element_type3A_146 = arith.extui %lt3A : i1 to i32
      %cond3A_147 = arith.constant 0 : i32
      %cond3A_148 = arith.cmpi ne, %convert_element_type3A_146, %cond3A_147 : i32
      scf.if %cond3A_148 {
        %mul3A_369 = arith.constant 128 : i32
        %mul3A_370 = arith.muli %add3A_145, %mul3A_369 : i32
        %add3A_371 = arith.addi %mul3A_67, %mul3A_370 : i32
        %min3A_372 = arith.constant 319872 : i32
        %min3A_373 = arith.minsi %add3A_371, %min3A_372 : i32
        %dma_start3A = arith.constant 0 : i32
        %dma_start3A_374 = tpu.memref_slice %arg3[%min3A_373, %dma_start3A] : memref<320000x128xf32, #tpu.memory_space<hbm>> -> memref<128x128xf32, #tpu.memory_space<hbm>>
        %dma_start3A_375 = arith.constant 0 : i32
        %dma_start3A_376 = tpu.memref_slice %arg3[%min3A_373, %dma_start3A_375] : memref<320000x128xf32, #tpu.memory_space<hbm>> -> memref<128x128xf32, #tpu.memory_space<hbm>>
        tpu.enqueue_dma source(%dma_start3A_376 : memref<128x128xf32, #tpu.memory_space<hbm>>) target(%arg9 : memref<128x128xf32, #tpu.memory_space<vmem>>) target_semaphore(%arg14 : memref<!tpu.dma_semaphore, #tpu.memory_space<semaphore_mem>>)
        %dma_start3A_377 = tpu.memref_slice %arg4[%min3A_373] : memref<320000xi32, #tpu.memory_space<hbm>> -> memref<128xi32, #tpu.memory_space<hbm>>
        %dma_start3A_378 = tpu.memref_slice %arg4[%min3A_373] : memref<320000xi32, #tpu.memory_space<hbm>> -> memref<128xi32, #tpu.memory_space<hbm>>
        tpu.enqueue_dma source(%dma_start3A_378 : memref<128xi32, #tpu.memory_space<hbm>>) target(%arg11 : memref<128xi32, #tpu.memory_space<vmem>>) target_semaphore(%arg14 : memref<!tpu.dma_semaphore, #tpu.memory_space<semaphore_mem>>)
      } else {
      }
      %dma_wait3A = arith.constant 0 : i32
      %dma_wait3A_149 = arith.constant 0 : i32
      %dma_wait3A_150 = tpu.memref_slice %arg3[%dma_wait3A, %dma_wait3A_149] : memref<320000x128xf32, #tpu.memory_space<hbm>> -> memref<128x128xf32, #tpu.memory_space<hbm>>
      %dma_wait3A_151 = arith.constant 0 : i32
      %dma_wait3A_152 = arith.constant 0 : i32
      %dma_wait3A_153 = tpu.memref_slice %arg3[%dma_wait3A_151, %dma_wait3A_152] : memref<320000x128xf32, #tpu.memory_space<hbm>> -> memref<128x128xf32, #tpu.memory_space<hbm>>
      tpu.wait_dma2 semaphore(%arg13 : memref<!tpu.dma_semaphore, #tpu.memory_space<semaphore_mem>>) src(%dma_wait3A_153 : memref<128x128xf32, #tpu.memory_space<hbm>>) dst(%arg8 : memref<128x128xf32, #tpu.memory_space<vmem>>)
      %dma_wait3A_154 = arith.constant 0 : i32
      %dma_wait3A_155 = tpu.memref_slice %arg4[%dma_wait3A_154] : memref<320000xi32, #tpu.memory_space<hbm>> -> memref<128xi32, #tpu.memory_space<hbm>>
      %dma_wait3A_156 = arith.constant 0 : i32
      %dma_wait3A_157 = tpu.memref_slice %arg4[%dma_wait3A_156] : memref<320000xi32, #tpu.memory_space<hbm>> -> memref<128xi32, #tpu.memory_space<hbm>>
      tpu.wait_dma2 semaphore(%arg13 : memref<!tpu.dma_semaphore, #tpu.memory_space<semaphore_mem>>) src(%dma_wait3A_157 : memref<128xi32, #tpu.memory_space<hbm>>) dst(%arg10 : memref<128xi32, #tpu.memory_space<vmem>>)
      %mul3A_158 = arith.constant 128 : i32
      %mul3A_159 = arith.muli %mul3A_143, %mul3A_158 : i32
      %add3A_160 = arith.addi %mul3A_67, %mul3A_159 : i32
      %min3A_161 = arith.constant 319872 : i32
      %min3A_162 = arith.minsi %add3A_160, %min3A_161 : i32
      %get3A_163 = arith.constant 0 : index
      %get3A_164 = tpu.vector_load %arg10[%get3A_163] {strides = array<i32>} : memref<128xi32, #tpu.memory_space<vmem>>, vector<16xi32>,
      %get3A_165 = vector.shape_cast %get3A_164 : vector<16xi32> to vector<16xi32>
      %add3A_166 = arith.constant 0 : i32
      %add3A_167 = arith.addi %min3A_162, %add3A_166 : i32
      %iota3A = tpu.iota {dimensions = array<i32: 0>} : vector<16xi32>
      %add3A_168 = vector.broadcast %add3A_167 : i32 to vector<16xi32>
      %add3A_169 = arith.addi %add3A_168, %iota3A : vector<16xi32>
      %ge3A = vector.broadcast %add3A_36 : i32 to vector<16xi32>
      %ge3A_170 = arith.cmpi sge, %add3A_169, %ge3A : vector<16xi32>
      %lt3A_171 = vector.broadcast %add3A_41 : i32 to vector<16xi32>
      %lt3A_172 = arith.cmpi slt, %add3A_169, %lt3A_171 : vector<16xi32>
      %and3A_173 = arith.andi %ge3A_170, %lt3A_172 : vector<16xi1>
      %ge3A_174 = vector.broadcast %add3A_160 : i32 to vector<16xi32>
      %ge3A_175 = arith.cmpi sge, %add3A_169, %ge3A_174 : vector<16xi32>
      %and3A_176 = arith.andi %and3A_173, %ge3A_175 : vector<16xi1>
      %sub3A_177 = vector.broadcast %mul3A_99 : i32 to vector<16xi32>
      %sub3A_178 = arith.subi %get3A_165, %sub3A_177 : vector<16xi32>
      %jit3A_179 = arith.constant 5000 : i32
      %broadcast_in_dim3A = vector.broadcast %jit3A_179 : i32 to vector<16xi32>
      %select_n3A_180 = arith.select %and3A_176, %sub3A_178, %broadcast_in_dim3A : vector<16xi1>, vector<16xi32>
      %swap3A = arith.constant 0 : index
      %swap3A_181 = tpu.vector_load %arg10[%swap3A] {strides = array<i32>} : memref<128xi32, #tpu.memory_space<vmem>>, vector<16xi32>,
      %swap3A_182 = vector.shape_cast %swap3A_181 : vector<16xi32> to vector<16xi32>
      %swap3A_183 = vector.shape_cast %select_n3A_180 : vector<16xi32> to vector<16xi32>
      tpu.vector_store %arg10[%swap3A], %swap3A_183 {strides = array<i32>} : memref<128xi32, #tpu.memory_space<vmem>>, vector<16xi32>,
      %get3A_184 = arith.constant 16 : index
      %get3A_185 = tpu.vector_load %arg10[%get3A_184] {strides = array<i32>} : memref<128xi32, #tpu.memory_space<vmem>>, vector<16xi32>,
      %get3A_186 = vector.shape_cast %get3A_185 : vector<16xi32> to vector<16xi32>
      %add3A_187 = arith.constant 16 : i32
      %add3A_188 = arith.addi %min3A_162, %add3A_187 : i32
      %iota3A_189 = tpu.iota {dimensions = array<i32: 0>} : vector<16xi32>
      %add3A_190 = vector.broadcast %add3A_188 : i32 to vector<16xi32>
      %add3A_191 = arith.addi %add3A_190, %iota3A_189 : vector<16xi32>
      %ge3A_192 = vector.broadcast %add3A_36 : i32 to vector<16xi32>
      %ge3A_193 = arith.cmpi sge, %add3A_191, %ge3A_192 : vector<16xi32>
      %lt3A_194 = vector.broadcast %add3A_41 : i32 to vector<16xi32>
      %lt3A_195 = arith.cmpi slt, %add3A_191, %lt3A_194 : vector<16xi32>
      %and3A_196 = arith.andi %ge3A_193, %lt3A_195 : vector<16xi1>
      %ge3A_197 = vector.broadcast %add3A_160 : i32 to vector<16xi32>
      %ge3A_198 = arith.cmpi sge, %add3A_191, %ge3A_197 : vector<16xi32>
      %and3A_199 = arith.andi %and3A_196, %ge3A_198 : vector<16xi1>
      %sub3A_200 = vector.broadcast %mul3A_99 : i32 to vector<16xi32>
      %sub3A_201 = arith.subi %get3A_186, %sub3A_200 : vector<16xi32>
      %jit3A_202 = arith.constant 5000 : i32
      %broadcast_in_dim3A_203 = vector.broadcast %jit3A_202 : i32 to vector<16xi32>
      %select_n3A_204 = arith.select %and3A_199, %sub3A_201, %broadcast_in_dim3A_203 : vector<16xi1>, vector<16xi32>
      %swap3A_205 = arith.constant 16 : index
      %swap3A_206 = tpu.vector_load %arg10[%swap3A_205] {strides = array<i32>} : memref<128xi32, #tpu.memory_space<vmem>>, vector<16xi32>,
      %swap3A_207 = vector.shape_cast %swap3A_206 : vector<16xi32> to vector<16xi32>
      %swap3A_208 = vector.shape_cast %select_n3A_204 : vector<16xi32> to vector<16xi32>
      tpu.vector_store %arg10[%swap3A_205], %swap3A_208 {strides = array<i32>} : memref<128xi32, #tpu.memory_space<vmem>>, vector<16xi32>,
      %get3A_209 = arith.constant 32 : index
      %get3A_210 = tpu.vector_load %arg10[%get3A_209] {strides = array<i32>} : memref<128xi32, #tpu.memory_space<vmem>>, vector<16xi32>,
      %get3A_211 = vector.shape_cast %get3A_210 : vector<16xi32> to vector<16xi32>
      %add3A_212 = arith.constant 32 : i32
      %add3A_213 = arith.addi %min3A_162, %add3A_212 : i32
      %iota3A_214 = tpu.iota {dimensions = array<i32: 0>} : vector<16xi32>
      %add3A_215 = vector.broadcast %add3A_213 : i32 to vector<16xi32>
      %add3A_216 = arith.addi %add3A_215, %iota3A_214 : vector<16xi32>
      %ge3A_217 = vector.broadcast %add3A_36 : i32 to vector<16xi32>
      %ge3A_218 = arith.cmpi sge, %add3A_216, %ge3A_217 : vector<16xi32>
      %lt3A_219 = vector.broadcast %add3A_41 : i32 to vector<16xi32>
      %lt3A_220 = arith.cmpi slt, %add3A_216, %lt3A_219 : vector<16xi32>
      %and3A_221 = arith.andi %ge3A_218, %lt3A_220 : vector<16xi1>
      %ge3A_222 = vector.broadcast %add3A_160 : i32 to vector<16xi32>
      %ge3A_223 = arith.cmpi sge, %add3A_216, %ge3A_222 : vector<16xi32>
      %and3A_224 = arith.andi %and3A_221, %ge3A_223 : vector<16xi1>
      %sub3A_225 = vector.broadcast %mul3A_99 : i32 to vector<16xi32>
      %sub3A_226 = arith.subi %get3A_211, %sub3A_225 : vector<16xi32>
      %jit3A_227 = arith.constant 5000 : i32
      %broadcast_in_dim3A_228 = vector.broadcast %jit3A_227 : i32 to vector<16xi32>
      %select_n3A_229 = arith.select %and3A_224, %sub3A_226, %broadcast_in_dim3A_228 : vector<16xi1>, vector<16xi32>
      %swap3A_230 = arith.constant 32 : index
      %swap3A_231 = tpu.vector_load %arg10[%swap3A_230] {strides = array<i32>} : memref<128xi32, #tpu.memory_space<vmem>>, vector<16xi32>,
      %swap3A_232 = vector.shape_cast %swap3A_231 : vector<16xi32> to vector<16xi32>
      %swap3A_233 = vector.shape_cast %select_n3A_229 : vector<16xi32> to vector<16xi32>
      tpu.vector_store %arg10[%swap3A_230], %swap3A_233 {strides = array<i32>} : memref<128xi32, #tpu.memory_space<vmem>>, vector<16xi32>,
      %get3A_234 = arith.constant 48 : index
      %get3A_235 = tpu.vector_load %arg10[%get3A_234] {strides = array<i32>} : memref<128xi32, #tpu.memory_space<vmem>>, vector<16xi32>,
      %get3A_236 = vector.shape_cast %get3A_235 : vector<16xi32> to vector<16xi32>
      %add3A_237 = arith.constant 48 : i32
      %add3A_238 = arith.addi %min3A_162, %add3A_237 : i32
      %iota3A_239 = tpu.iota {dimensions = array<i32: 0>} : vector<16xi32>
      %add3A_240 = vector.broadcast %add3A_238 : i32 to vector<16xi32>
      %add3A_241 = arith.addi %add3A_240, %iota3A_239 : vector<16xi32>
      %ge3A_242 = vector.broadcast %add3A_36 : i32 to vector<16xi32>
      %ge3A_243 = arith.cmpi sge, %add3A_241, %ge3A_242 : vector<16xi32>
      %lt3A_244 = vector.broadcast %add3A_41 : i32 to vector<16xi32>
      %lt3A_245 = arith.cmpi slt, %add3A_241, %lt3A_244 : vector<16xi32>
      %and3A_246 = arith.andi %ge3A_243, %lt3A_245 : vector<16xi1>
      %ge3A_247 = vector.broadcast %add3A_160 : i32 to vector<16xi32>
      %ge3A_248 = arith.cmpi sge, %add3A_241, %ge3A_247 : vector<16xi32>
      %and3A_249 = arith.andi %and3A_246, %ge3A_248 : vector<16xi1>
      %sub3A_250 = vector.broadcast %mul3A_99 : i32 to vector<16xi32>
      %sub3A_251 = arith.subi %get3A_236, %sub3A_250 : vector<16xi32>
      %jit3A_252 = arith.constant 5000 : i32
      %broadcast_in_dim3A_253 = vector.broadcast %jit3A_252 : i32 to vector<16xi32>
      %select_n3A_254 = arith.select %and3A_249, %sub3A_251, %broadcast_in_dim3A_253 : vector<16xi1>, vector<16xi32>
      %swap3A_255 = arith.constant 48 : index
      %swap3A_256 = tpu.vector_load %arg10[%swap3A_255] {strides = array<i32>} : memref<128xi32, #tpu.memory_space<vmem>>, vector<16xi32>,
      %swap3A_257 = vector.shape_cast %swap3A_256 : vector<16xi32> to vector<16xi32>
      %swap3A_258 = vector.shape_cast %select_n3A_254 : vector<16xi32> to vector<16xi32>
      tpu.vector_store %arg10[%swap3A_255], %swap3A_258 {strides = array<i32>} : memref<128xi32, #tpu.memory_space<vmem>>, vector<16xi32>,
      %get3A_259 = arith.constant 64 : index
      %get3A_260 = tpu.vector_load %arg10[%get3A_259] {strides = array<i32>} : memref<128xi32, #tpu.memory_space<vmem>>, vector<16xi32>,
      %get3A_261 = vector.shape_cast %get3A_260 : vector<16xi32> to vector<16xi32>
      %add3A_262 = arith.constant 64 : i32
      %add3A_263 = arith.addi %min3A_162, %add3A_262 : i32
      %iota3A_264 = tpu.iota {dimensions = array<i32: 0>} : vector<16xi32>
      %add3A_265 = vector.broadcast %add3A_263 : i32 to vector<16xi32>
      %add3A_266 = arith.addi %add3A_265, %iota3A_264 : vector<16xi32>
      %ge3A_267 = vector.broadcast %add3A_36 : i32 to vector<16xi32>
      %ge3A_268 = arith.cmpi sge, %add3A_266, %ge3A_267 : vector<16xi32>
      %lt3A_269 = vector.broadcast %add3A_41 : i32 to vector<16xi32>
      %lt3A_270 = arith.cmpi slt, %add3A_266, %lt3A_269 : vector<16xi32>
      %and3A_271 = arith.andi %ge3A_268, %lt3A_270 : vector<16xi1>
      %ge3A_272 = vector.broadcast %add3A_160 : i32 to vector<16xi32>
      %ge3A_273 = arith.cmpi sge, %add3A_266, %ge3A_272 : vector<16xi32>
      %and3A_274 = arith.andi %and3A_271, %ge3A_273 : vector<16xi1>
      %sub3A_275 = vector.broadcast %mul3A_99 : i32 to vector<16xi32>
      %sub3A_276 = arith.subi %get3A_261, %sub3A_275 : vector<16xi32>
      %jit3A_277 = arith.constant 5000 : i32
      %broadcast_in_dim3A_278 = vector.broadcast %jit3A_277 : i32 to vector<16xi32>
      %select_n3A_279 = arith.select %and3A_274, %sub3A_276, %broadcast_in_dim3A_278 : vector<16xi1>, vector<16xi32>
      %swap3A_280 = arith.constant 64 : index
      %swap3A_281 = tpu.vector_load %arg10[%swap3A_280] {strides = array<i32>} : memref<128xi32, #tpu.memory_space<vmem>>, vector<16xi32>,
      %swap3A_282 = vector.shape_cast %swap3A_281 : vector<16xi32> to vector<16xi32>
      %swap3A_283 = vector.shape_cast %select_n3A_279 : vector<16xi32> to vector<16xi32>
      tpu.vector_store %arg10[%swap3A_280], %swap3A_283 {strides = array<i32>} : memref<128xi32, #tpu.memory_space<vmem>>, vector<16xi32>,
      %get3A_284 = arith.constant 80 : index
      %get3A_285 = tpu.vector_load %arg10[%get3A_284] {strides = array<i32>} : memref<128xi32, #tpu.memory_space<vmem>>, vector<16xi32>,
      %get3A_286 = vector.shape_cast %get3A_285 : vector<16xi32> to vector<16xi32>
      %add3A_287 = arith.constant 80 : i32
      %add3A_288 = arith.addi %min3A_162, %add3A_287 : i32
      %iota3A_289 = tpu.iota {dimensions = array<i32: 0>} : vector<16xi32>
      %add3A_290 = vector.broadcast %add3A_288 : i32 to vector<16xi32>
      %add3A_291 = arith.addi %add3A_290, %iota3A_289 : vector<16xi32>
      %ge3A_292 = vector.broadcast %add3A_36 : i32 to vector<16xi32>
      %ge3A_293 = arith.cmpi sge, %add3A_291, %ge3A_292 : vector<16xi32>
      %lt3A_294 = vector.broadcast %add3A_41 : i32 to vector<16xi32>
      %lt3A_295 = arith.cmpi slt, %add3A_291, %lt3A_294 : vector<16xi32>
      %and3A_296 = arith.andi %ge3A_293, %lt3A_295 : vector<16xi1>
      %ge3A_297 = vector.broadcast %add3A_160 : i32 to vector<16xi32>
      %ge3A_298 = arith.cmpi sge, %add3A_291, %ge3A_297 : vector<16xi32>
      %and3A_299 = arith.andi %and3A_296, %ge3A_298 : vector<16xi1>
      %sub3A_300 = vector.broadcast %mul3A_99 : i32 to vector<16xi32>
      %sub3A_301 = arith.subi %get3A_286, %sub3A_300 : vector<16xi32>
      %jit3A_302 = arith.constant 5000 : i32
      %broadcast_in_dim3A_303 = vector.broadcast %jit3A_302 : i32 to vector<16xi32>
      %select_n3A_304 = arith.select %and3A_299, %sub3A_301, %broadcast_in_dim3A_303 : vector<16xi1>, vector<16xi32>
      %swap3A_305 = arith.constant 80 : index
      %swap3A_306 = tpu.vector_load %arg10[%swap3A_305] {strides = array<i32>} : memref<128xi32, #tpu.memory_space<vmem>>, vector<16xi32>,
      %swap3A_307 = vector.shape_cast %swap3A_306 : vector<16xi32> to vector<16xi32>
      %swap3A_308 = vector.shape_cast %select_n3A_304 : vector<16xi32> to vector<16xi32>
      tpu.vector_store %arg10[%swap3A_305], %swap3A_308 {strides = array<i32>} : memref<128xi32, #tpu.memory_space<vmem>>, vector<16xi32>,
      %get3A_309 = arith.constant 96 : index
      %get3A_310 = tpu.vector_load %arg10[%get3A_309] {strides = array<i32>} : memref<128xi32, #tpu.memory_space<vmem>>, vector<16xi32>,
      %get3A_311 = vector.shape_cast %get3A_310 : vector<16xi32> to vector<16xi32>
      %add3A_312 = arith.constant 96 : i32
      %add3A_313 = arith.addi %min3A_162, %add3A_312 : i32
      %iota3A_314 = tpu.iota {dimensions = array<i32: 0>} : vector<16xi32>
      %add3A_315 = vector.broadcast %add3A_313 : i32 to vector<16xi32>
      %add3A_316 = arith.addi %add3A_315, %iota3A_314 : vector<16xi32>
      %ge3A_317 = vector.broadcast %add3A_36 : i32 to vector<16xi32>
      %ge3A_318 = arith.cmpi sge, %add3A_316, %ge3A_317 : vector<16xi32>
      %lt3A_319 = vector.broadcast %add3A_41 : i32 to vector<16xi32>
      %lt3A_320 = arith.cmpi slt, %add3A_316, %lt3A_319 : vector<16xi32>
      %and3A_321 = arith.andi %ge3A_318, %lt3A_320 : vector<16xi1>
      %ge3A_322 = vector.broadcast %add3A_160 : i32 to vector<16xi32>
      %ge3A_323 = arith.cmpi sge, %add3A_316, %ge3A_322 : vector<16xi32>
      %and3A_324 = arith.andi %and3A_321, %ge3A_323 : vector<16xi1>
      %sub3A_325 = vector.broadcast %mul3A_99 : i32 to vector<16xi32>
      %sub3A_326 = arith.subi %get3A_311, %sub3A_325 : vector<16xi32>
      %jit3A_327 = arith.constant 5000 : i32
      %broadcast_in_dim3A_328 = vector.broadcast %jit3A_327 : i32 to vector<16xi32>
      %select_n3A_329 = arith.select %and3A_324, %sub3A_326, %broadcast_in_dim3A_328 : vector<16xi1>, vector<16xi32>
      %swap3A_330 = arith.constant 96 : index
      %swap3A_331 = tpu.vector_load %arg10[%swap3A_330] {strides = array<i32>} : memref<128xi32, #tpu.memory_space<vmem>>, vector<16xi32>,
      %swap3A_332 = vector.shape_cast %swap3A_331 : vector<16xi32> to vector<16xi32>
      %swap3A_333 = vector.shape_cast %select_n3A_329 : vector<16xi32> to vector<16xi32>
      tpu.vector_store %arg10[%swap3A_330], %swap3A_333 {strides = array<i32>} : memref<128xi32, #tpu.memory_space<vmem>>, vector<16xi32>,
      %get3A_334 = arith.constant 112 : index
      %get3A_335 = tpu.vector_load %arg10[%get3A_334] {strides = array<i32>} : memref<128xi32, #tpu.memory_space<vmem>>, vector<16xi32>,
      %get3A_336 = vector.shape_cast %get3A_335 : vector<16xi32> to vector<16xi32>
      %add3A_337 = arith.constant 112 : i32
      %add3A_338 = arith.addi %min3A_162, %add3A_337 : i32
      %iota3A_339 = tpu.iota {dimensions = array<i32: 0>} : vector<16xi32>
      %add3A_340 = vector.broadcast %add3A_338 : i32 to vector<16xi32>
      %add3A_341 = arith.addi %add3A_340, %iota3A_339 : vector<16xi32>
      %ge3A_342 = vector.broadcast %add3A_36 : i32 to vector<16xi32>
      %ge3A_343 = arith.cmpi sge, %add3A_341, %ge3A_342 : vector<16xi32>
      %lt3A_344 = vector.broadcast %add3A_41 : i32 to vector<16xi32>
      %lt3A_345 = arith.cmpi slt, %add3A_341, %lt3A_344 : vector<16xi32>
      %and3A_346 = arith.andi %ge3A_343, %lt3A_345 : vector<16xi1>
      %ge3A_347 = vector.broadcast %add3A_160 : i32 to vector<16xi32>
      %ge3A_348 = arith.cmpi sge, %add3A_341, %ge3A_347 : vector<16xi32>
      %and3A_349 = arith.andi %and3A_346, %ge3A_348 : vector<16xi1>
      %sub3A_350 = vector.broadcast %mul3A_99 : i32 to vector<16xi32>
      %sub3A_351 = arith.subi %get3A_336, %sub3A_350 : vector<16xi32>
      %jit3A_352 = arith.constant 5000 : i32
      %broadcast_in_dim3A_353 = vector.broadcast %jit3A_352 : i32 to vector<16xi32>
      %select_n3A_354 = arith.select %and3A_349, %sub3A_351, %broadcast_in_dim3A_353 : vector<16xi1>, vector<16xi32>
      %swap3A_355 = arith.constant 112 : index
      %swap3A_356 = tpu.vector_load %arg10[%swap3A_355] {strides = array<i32>} : memref<128xi32, #tpu.memory_space<vmem>>, vector<16xi32>,
      %swap3A_357 = vector.shape_cast %swap3A_356 : vector<16xi32> to vector<16xi32>
      %swap3A_358 = vector.shape_cast %select_n3A_354 : vector<16xi32> to vector<16xi32>
      tpu.vector_store %arg10[%swap3A_355], %swap3A_358 {strides = array<i32>} : memref<128xi32, #tpu.memory_space<vmem>>, vector<16xi32>,
      "tpu.region"() ({
        %run_scoped3A = tpu.sem_alloc : memref<!tpu.dma_semaphore, #tpu.memory_space<semaphore_mem>>
        %dma_start3A = arith.constant 0 : i32
        %dma_start3A_369 = arith.constant 0 : i32
        %dma_start3A_370 = tpu.memref_slice %arg7[%dma_start3A, %dma_start3A_369] : memref<5008x128xf32, #tpu.memory_space<vmem_shared>> -> memref<5008x128xf32, #tpu.memory_space<vmem_shared>>
        tpu.enqueue_indirect_dma source(%arg8 : memref<128x128xf32, #tpu.memory_space<vmem>>) target(%dma_start3A_370 : memref<5008x128xf32, #tpu.memory_space<vmem_shared>>) offsets(%arg10 : memref<128xi32, #tpu.memory_space<vmem>>) semaphore(%run_scoped3A : memref<!tpu.dma_semaphore, #tpu.memory_space<semaphore_mem>>) {add = true}
        %dma_wait3A_371 = arith.constant 0 : i32
        %dma_wait3A_372 = arith.constant 0 : i32
        %dma_wait3A_373 = tpu.memref_slice %arg7[%dma_wait3A_371, %dma_wait3A_372] : memref<5008x128xf32, #tpu.memory_space<vmem_shared>> -> memref<5008x128xf32, #tpu.memory_space<vmem_shared>>
        tpu.wait_indirect_dma semaphore(%run_scoped3A : memref<!tpu.dma_semaphore, #tpu.memory_space<semaphore_mem>>) src(%arg8 : memref<128x128xf32, #tpu.memory_space<vmem>>) dst(%dma_wait3A_373 : memref<5008x128xf32, #tpu.memory_space<vmem_shared>>)
        tpu.yield
      }) : () -> ()
      %add3A_359 = arith.constant 2 : i32
      %add3A_360 = arith.addi %mul3A_143, %add3A_359 : i32
      %lt3A_361 = arith.cmpi slt, %add3A_360, %max3A_97 : i32
      %convert_element_type3A_362 = arith.extui %lt3A_361 : i1 to i32
      %cond3A_363 = arith.constant 0 : i32
      %cond3A_364 = arith.cmpi ne, %convert_element_type3A_362, %cond3A_363 : i32
      scf.if %cond3A_364 {
        %add3A_369 = arith.constant 2 : i32
        %add3A_370 = arith.addi %mul3A_143, %add3A_369 : i32
        %mul3A_371 = arith.constant 128 : i32
        %mul3A_372 = arith.muli %add3A_370, %mul3A_371 : i32
        %add3A_373 = arith.addi %mul3A_67, %mul3A_372 : i32
        %min3A_374 = arith.constant 319872 : i32
        %min3A_375 = arith.minsi %add3A_373, %min3A_374 : i32
        %dma_start3A = arith.constant 0 : i32
        %dma_start3A_376 = tpu.memref_slice %arg3[%min3A_375, %dma_start3A] : memref<320000x128xf32, #tpu.memory_space<hbm>> -> memref<128x128xf32, #tpu.memory_space<hbm>>
        %dma_start3A_377 = arith.constant 0 : i32
        %dma_start3A_378 = tpu.memref_slice %arg3[%min3A_375, %dma_start3A_377] : memref<320000x128xf32, #tpu.memory_space<hbm>> -> memref<128x128xf32, #tpu.memory_space<hbm>>
        tpu.enqueue_dma source(%dma_start3A_378 : memref<128x128xf32, #tpu.memory_space<hbm>>) target(%arg8 : memref<128x128xf32, #tpu.memory_space<vmem>>) target_semaphore(%arg13 : memref<!tpu.dma_semaphore, #tpu.memory_space<semaphore_mem>>)
        %dma_start3A_379 = tpu.memref_slice %arg4[%min3A_375] : memref<320000xi32, #tpu.memory_space<hbm>> -> memref<128xi32, #tpu.memory_space<hbm>>
        %dma_start3A_380 = tpu.memref_slice %arg4[%min3A_375] : memref<320000xi32, #tpu.memory_space<hbm>> -> memref<128xi32, #tpu.memory_space<hbm>>
        tpu.enqueue_dma source(%dma_start3A_380 : memref<128xi32, #tpu.memory_space<hbm>>) target(%arg10 : memref<128xi32, #tpu.memory_space<vmem>>) target_semaphore(%arg13 : memref<!tpu.dma_semaphore, #tpu.memory_space<semaphore_mem>>)
      } else {
      }
      %lt3A_365 = arith.cmpi slt, %add3A_145, %max3A_97 : i32
      %convert_element_type3A_366 = arith.extui %lt3A_365 : i1 to i32
      %cond3A_367 = arith.constant 0 : i32
      %cond3A_368 = arith.cmpi ne, %convert_element_type3A_366, %cond3A_367 : i32
      scf.if %cond3A_368 {
        %dma_wait3A_369 = arith.constant 0 : i32
        %dma_wait3A_370 = arith.constant 0 : i32
        %dma_wait3A_371 = tpu.memref_slice %arg3[%dma_wait3A_369, %dma_wait3A_370] : memref<320000x128xf32, #tpu.memory_space<hbm>> -> memref<128x128xf32, #tpu.memory_space<hbm>>
        %dma_wait3A_372 = arith.constant 0 : i32
        %dma_wait3A_373 = arith.constant 0 : i32
        %dma_wait3A_374 = tpu.memref_slice %arg3[%dma_wait3A_372, %dma_wait3A_373] : memref<320000x128xf32, #tpu.memory_space<hbm>> -> memref<128x128xf32, #tpu.memory_space<hbm>>
        tpu.wait_dma2 semaphore(%arg14 : memref<!tpu.dma_semaphore, #tpu.memory_space<semaphore_mem>>) src(%dma_wait3A_374 : memref<128x128xf32, #tpu.memory_space<hbm>>) dst(%arg9 : memref<128x128xf32, #tpu.memory_space<vmem>>)
        %dma_wait3A_375 = arith.constant 0 : i32
        %dma_wait3A_376 = tpu.memref_slice %arg4[%dma_wait3A_375] : memref<320000xi32, #tpu.memory_space<hbm>> -> memref<128xi32, #tpu.memory_space<hbm>>
        %dma_wait3A_377 = arith.constant 0 : i32
        %dma_wait3A_378 = tpu.memref_slice %arg4[%dma_wait3A_377] : memref<320000xi32, #tpu.memory_space<hbm>> -> memref<128xi32, #tpu.memory_space<hbm>>
        tpu.wait_dma2 semaphore(%arg14 : memref<!tpu.dma_semaphore, #tpu.memory_space<semaphore_mem>>) src(%dma_wait3A_378 : memref<128xi32, #tpu.memory_space<hbm>>) dst(%arg11 : memref<128xi32, #tpu.memory_space<vmem>>)
        %mul3A_379 = arith.constant 128 : i32
        %mul3A_380 = arith.muli %add3A_145, %mul3A_379 : i32
        %add3A_381 = arith.addi %mul3A_67, %mul3A_380 : i32
        %min3A_382 = arith.constant 319872 : i32
        %min3A_383 = arith.minsi %add3A_381, %min3A_382 : i32
        %get3A_384 = arith.constant 0 : index
        %get3A_385 = tpu.vector_load %arg11[%get3A_384] {strides = array<i32>} : memref<128xi32, #tpu.memory_space<vmem>>, vector<16xi32>,
        %get3A_386 = vector.shape_cast %get3A_385 : vector<16xi32> to vector<16xi32>
        %add3A_387 = arith.constant 0 : i32
        %add3A_388 = arith.addi %min3A_383, %add3A_387 : i32
        %iota3A_389 = tpu.iota {dimensions = array<i32: 0>} : vector<16xi32>
        %add3A_390 = vector.broadcast %add3A_388 : i32 to vector<16xi32>
        %add3A_391 = arith.addi %add3A_390, %iota3A_389 : vector<16xi32>
        %ge3A_392 = vector.broadcast %add3A_36 : i32 to vector<16xi32>
        %ge3A_393 = arith.cmpi sge, %add3A_391, %ge3A_392 : vector<16xi32>
        %lt3A_394 = vector.broadcast %add3A_41 : i32 to vector<16xi32>
        %lt3A_395 = arith.cmpi slt, %add3A_391, %lt3A_394 : vector<16xi32>
        %and3A_396 = arith.andi %ge3A_393, %lt3A_395 : vector<16xi1>
        %ge3A_397 = vector.broadcast %add3A_381 : i32 to vector<16xi32>
        %ge3A_398 = arith.cmpi sge, %add3A_391, %ge3A_397 : vector<16xi32>
        %and3A_399 = arith.andi %and3A_396, %ge3A_398 : vector<16xi1>
        %sub3A_400 = vector.broadcast %mul3A_99 : i32 to vector<16xi32>
        %sub3A_401 = arith.subi %get3A_386, %sub3A_400 : vector<16xi32>
        %jit3A_402 = arith.constant 5000 : i32
        %broadcast_in_dim3A_403 = vector.broadcast %jit3A_402 : i32 to vector<16xi32>
        %select_n3A_404 = arith.select %and3A_399, %sub3A_401, %broadcast_in_dim3A_403 : vector<16xi1>, vector<16xi32>
        %swap3A_405 = arith.constant 0 : index
        %swap3A_406 = tpu.vector_load %arg11[%swap3A_405] {strides = array<i32>} : memref<128xi32, #tpu.memory_space<vmem>>, vector<16xi32>,
        %swap3A_407 = vector.shape_cast %swap3A_406 : vector<16xi32> to vector<16xi32>
        %swap3A_408 = vector.shape_cast %select_n3A_404 : vector<16xi32> to vector<16xi32>
        tpu.vector_store %arg11[%swap3A_405], %swap3A_408 {strides = array<i32>} : memref<128xi32, #tpu.memory_space<vmem>>, vector<16xi32>,
        %get3A_409 = arith.constant 16 : index
        %get3A_410 = tpu.vector_load %arg11[%get3A_409] {strides = array<i32>} : memref<128xi32, #tpu.memory_space<vmem>>, vector<16xi32>,
        %get3A_411 = vector.shape_cast %get3A_410 : vector<16xi32> to vector<16xi32>
        %add3A_412 = arith.constant 16 : i32
        %add3A_413 = arith.addi %min3A_383, %add3A_412 : i32
        %iota3A_414 = tpu.iota {dimensions = array<i32: 0>} : vector<16xi32>
        %add3A_415 = vector.broadcast %add3A_413 : i32 to vector<16xi32>
        %add3A_416 = arith.addi %add3A_415, %iota3A_414 : vector<16xi32>
        %ge3A_417 = vector.broadcast %add3A_36 : i32 to vector<16xi32>
        %ge3A_418 = arith.cmpi sge, %add3A_416, %ge3A_417 : vector<16xi32>
        %lt3A_419 = vector.broadcast %add3A_41 : i32 to vector<16xi32>
        %lt3A_420 = arith.cmpi slt, %add3A_416, %lt3A_419 : vector<16xi32>
        %and3A_421 = arith.andi %ge3A_418, %lt3A_420 : vector<16xi1>
        %ge3A_422 = vector.broadcast %add3A_381 : i32 to vector<16xi32>
        %ge3A_423 = arith.cmpi sge, %add3A_416, %ge3A_422 : vector<16xi32>
        %and3A_424 = arith.andi %and3A_421, %ge3A_423 : vector<16xi1>
        %sub3A_425 = vector.broadcast %mul3A_99 : i32 to vector<16xi32>
        %sub3A_426 = arith.subi %get3A_411, %sub3A_425 : vector<16xi32>
        %jit3A_427 = arith.constant 5000 : i32
        %broadcast_in_dim3A_428 = vector.broadcast %jit3A_427 : i32 to vector<16xi32>
        %select_n3A_429 = arith.select %and3A_424, %sub3A_426, %broadcast_in_dim3A_428 : vector<16xi1>, vector<16xi32>
        %swap3A_430 = arith.constant 16 : index
        %swap3A_431 = tpu.vector_load %arg11[%swap3A_430] {strides = array<i32>} : memref<128xi32, #tpu.memory_space<vmem>>, vector<16xi32>,
        %swap3A_432 = vector.shape_cast %swap3A_431 : vector<16xi32> to vector<16xi32>
        %swap3A_433 = vector.shape_cast %select_n3A_429 : vector<16xi32> to vector<16xi32>
        tpu.vector_store %arg11[%swap3A_430], %swap3A_433 {strides = array<i32>} : memref<128xi32, #tpu.memory_space<vmem>>, vector<16xi32>,
        %get3A_434 = arith.constant 32 : index
        %get3A_435 = tpu.vector_load %arg11[%get3A_434] {strides = array<i32>} : memref<128xi32, #tpu.memory_space<vmem>>, vector<16xi32>,
        %get3A_436 = vector.shape_cast %get3A_435 : vector<16xi32> to vector<16xi32>
        %add3A_437 = arith.constant 32 : i32
        %add3A_438 = arith.addi %min3A_383, %add3A_437 : i32
        %iota3A_439 = tpu.iota {dimensions = array<i32: 0>} : vector<16xi32>
        %add3A_440 = vector.broadcast %add3A_438 : i32 to vector<16xi32>
        %add3A_441 = arith.addi %add3A_440, %iota3A_439 : vector<16xi32>
        %ge3A_442 = vector.broadcast %add3A_36 : i32 to vector<16xi32>
        %ge3A_443 = arith.cmpi sge, %add3A_441, %ge3A_442 : vector<16xi32>
        %lt3A_444 = vector.broadcast %add3A_41 : i32 to vector<16xi32>
        %lt3A_445 = arith.cmpi slt, %add3A_441, %lt3A_444 : vector<16xi32>
        %and3A_446 = arith.andi %ge3A_443, %lt3A_445 : vector<16xi1>
        %ge3A_447 = vector.broadcast %add3A_381 : i32 to vector<16xi32>
        %ge3A_448 = arith.cmpi sge, %add3A_441, %ge3A_447 : vector<16xi32>
        %and3A_449 = arith.andi %and3A_446, %ge3A_448 : vector<16xi1>
        %sub3A_450 = vector.broadcast %mul3A_99 : i32 to vector<16xi32>
        %sub3A_451 = arith.subi %get3A_436, %sub3A_450 : vector<16xi32>
        %jit3A_452 = arith.constant 5000 : i32
        %broadcast_in_dim3A_453 = vector.broadcast %jit3A_452 : i32 to vector<16xi32>
        %select_n3A_454 = arith.select %and3A_449, %sub3A_451, %broadcast_in_dim3A_453 : vector<16xi1>, vector<16xi32>
        %swap3A_455 = arith.constant 32 : index
        %swap3A_456 = tpu.vector_load %arg11[%swap3A_455] {strides = array<i32>} : memref<128xi32, #tpu.memory_space<vmem>>, vector<16xi32>,
        %swap3A_457 = vector.shape_cast %swap3A_456 : vector<16xi32> to vector<16xi32>
        %swap3A_458 = vector.shape_cast %select_n3A_454 : vector<16xi32> to vector<16xi32>
        tpu.vector_store %arg11[%swap3A_455], %swap3A_458 {strides = array<i32>} : memref<128xi32, #tpu.memory_space<vmem>>, vector<16xi32>,
        %get3A_459 = arith.constant 48 : index
        %get3A_460 = tpu.vector_load %arg11[%get3A_459] {strides = array<i32>} : memref<128xi32, #tpu.memory_space<vmem>>, vector<16xi32>,
        %get3A_461 = vector.shape_cast %get3A_460 : vector<16xi32> to vector<16xi32>
        %add3A_462 = arith.constant 48 : i32
        %add3A_463 = arith.addi %min3A_383, %add3A_462 : i32
        %iota3A_464 = tpu.iota {dimensions = array<i32: 0>} : vector<16xi32>
        %add3A_465 = vector.broadcast %add3A_463 : i32 to vector<16xi32>
        %add3A_466 = arith.addi %add3A_465, %iota3A_464 : vector<16xi32>
        %ge3A_467 = vector.broadcast %add3A_36 : i32 to vector<16xi32>
        %ge3A_468 = arith.cmpi sge, %add3A_466, %ge3A_467 : vector<16xi32>
        %lt3A_469 = vector.broadcast %add3A_41 : i32 to vector<16xi32>
        %lt3A_470 = arith.cmpi slt, %add3A_466, %lt3A_469 : vector<16xi32>
        %and3A_471 = arith.andi %ge3A_468, %lt3A_470 : vector<16xi1>
        %ge3A_472 = vector.broadcast %add3A_381 : i32 to vector<16xi32>
        %ge3A_473 = arith.cmpi sge, %add3A_466, %ge3A_472 : vector<16xi32>
        %and3A_474 = arith.andi %and3A_471, %ge3A_473 : vector<16xi1>
        %sub3A_475 = vector.broadcast %mul3A_99 : i32 to vector<16xi32>
        %sub3A_476 = arith.subi %get3A_461, %sub3A_475 : vector<16xi32>
        %jit3A_477 = arith.constant 5000 : i32
        %broadcast_in_dim3A_478 = vector.broadcast %jit3A_477 : i32 to vector<16xi32>
        %select_n3A_479 = arith.select %and3A_474, %sub3A_476, %broadcast_in_dim3A_478 : vector<16xi1>, vector<16xi32>
        %swap3A_480 = arith.constant 48 : index
        %swap3A_481 = tpu.vector_load %arg11[%swap3A_480] {strides = array<i32>} : memref<128xi32, #tpu.memory_space<vmem>>, vector<16xi32>,
        %swap3A_482 = vector.shape_cast %swap3A_481 : vector<16xi32> to vector<16xi32>
        %swap3A_483 = vector.shape_cast %select_n3A_479 : vector<16xi32> to vector<16xi32>
        tpu.vector_store %arg11[%swap3A_480], %swap3A_483 {strides = array<i32>} : memref<128xi32, #tpu.memory_space<vmem>>, vector<16xi32>,
        %get3A_484 = arith.constant 64 : index
        %get3A_485 = tpu.vector_load %arg11[%get3A_484] {strides = array<i32>} : memref<128xi32, #tpu.memory_space<vmem>>, vector<16xi32>,
        %get3A_486 = vector.shape_cast %get3A_485 : vector<16xi32> to vector<16xi32>
        %add3A_487 = arith.constant 64 : i32
        %add3A_488 = arith.addi %min3A_383, %add3A_487 : i32
        %iota3A_489 = tpu.iota {dimensions = array<i32: 0>} : vector<16xi32>
        %add3A_490 = vector.broadcast %add3A_488 : i32 to vector<16xi32>
        %add3A_491 = arith.addi %add3A_490, %iota3A_489 : vector<16xi32>
        %ge3A_492 = vector.broadcast %add3A_36 : i32 to vector<16xi32>
        %ge3A_493 = arith.cmpi sge, %add3A_491, %ge3A_492 : vector<16xi32>
        %lt3A_494 = vector.broadcast %add3A_41 : i32 to vector<16xi32>
        %lt3A_495 = arith.cmpi slt, %add3A_491, %lt3A_494 : vector<16xi32>
        %and3A_496 = arith.andi %ge3A_493, %lt3A_495 : vector<16xi1>
        %ge3A_497 = vector.broadcast %add3A_381 : i32 to vector<16xi32>
        %ge3A_498 = arith.cmpi sge, %add3A_491, %ge3A_497 : vector<16xi32>
        %and3A_499 = arith.andi %and3A_496, %ge3A_498 : vector<16xi1>
        %sub3A_500 = vector.broadcast %mul3A_99 : i32 to vector<16xi32>
        %sub3A_501 = arith.subi %get3A_486, %sub3A_500 : vector<16xi32>
        %jit3A_502 = arith.constant 5000 : i32
        %broadcast_in_dim3A_503 = vector.broadcast %jit3A_502 : i32 to vector<16xi32>
        %select_n3A_504 = arith.select %and3A_499, %sub3A_501, %broadcast_in_dim3A_503 : vector<16xi1>, vector<16xi32>
        %swap3A_505 = arith.constant 64 : index
        %swap3A_506 = tpu.vector_load %arg11[%swap3A_505] {strides = array<i32>} : memref<128xi32, #tpu.memory_space<vmem>>, vector<16xi32>,
        %swap3A_507 = vector.shape_cast %swap3A_506 : vector<16xi32> to vector<16xi32>
        %swap3A_508 = vector.shape_cast %select_n3A_504 : vector<16xi32> to vector<16xi32>
        tpu.vector_store %arg11[%swap3A_505], %swap3A_508 {strides = array<i32>} : memref<128xi32, #tpu.memory_space<vmem>>, vector<16xi32>,
        %get3A_509 = arith.constant 80 : index
        %get3A_510 = tpu.vector_load %arg11[%get3A_509] {strides = array<i32>} : memref<128xi32, #tpu.memory_space<vmem>>, vector<16xi32>,
        %get3A_511 = vector.shape_cast %get3A_510 : vector<16xi32> to vector<16xi32>
        %add3A_512 = arith.constant 80 : i32
        %add3A_513 = arith.addi %min3A_383, %add3A_512 : i32
        %iota3A_514 = tpu.iota {dimensions = array<i32: 0>} : vector<16xi32>
        %add3A_515 = vector.broadcast %add3A_513 : i32 to vector<16xi32>
        %add3A_516 = arith.addi %add3A_515, %iota3A_514 : vector<16xi32>
        %ge3A_517 = vector.broadcast %add3A_36 : i32 to vector<16xi32>
        %ge3A_518 = arith.cmpi sge, %add3A_516, %ge3A_517 : vector<16xi32>
        %lt3A_519 = vector.broadcast %add3A_41 : i32 to vector<16xi32>
        %lt3A_520 = arith.cmpi slt, %add3A_516, %lt3A_519 : vector<16xi32>
        %and3A_521 = arith.andi %ge3A_518, %lt3A_520 : vector<16xi1>
        %ge3A_522 = vector.broadcast %add3A_381 : i32 to vector<16xi32>
        %ge3A_523 = arith.cmpi sge, %add3A_516, %ge3A_522 : vector<16xi32>
        %and3A_524 = arith.andi %and3A_521, %ge3A_523 : vector<16xi1>
        %sub3A_525 = vector.broadcast %mul3A_99 : i32 to vector<16xi32>
        %sub3A_526 = arith.subi %get3A_511, %sub3A_525 : vector<16xi32>
        %jit3A_527 = arith.constant 5000 : i32
        %broadcast_in_dim3A_528 = vector.broadcast %jit3A_527 : i32 to vector<16xi32>
        %select_n3A_529 = arith.select %and3A_524, %sub3A_526, %broadcast_in_dim3A_528 : vector<16xi1>, vector<16xi32>
        %swap3A_530 = arith.constant 80 : index
        %swap3A_531 = tpu.vector_load %arg11[%swap3A_530] {strides = array<i32>} : memref<128xi32, #tpu.memory_space<vmem>>, vector<16xi32>,
        %swap3A_532 = vector.shape_cast %swap3A_531 : vector<16xi32> to vector<16xi32>
        %swap3A_533 = vector.shape_cast %select_n3A_529 : vector<16xi32> to vector<16xi32>
        tpu.vector_store %arg11[%swap3A_530], %swap3A_533 {strides = array<i32>} : memref<128xi32, #tpu.memory_space<vmem>>, vector<16xi32>,
        %get3A_534 = arith.constant 96 : index
        %get3A_535 = tpu.vector_load %arg11[%get3A_534] {strides = array<i32>} : memref<128xi32, #tpu.memory_space<vmem>>, vector<16xi32>,
        %get3A_536 = vector.shape_cast %get3A_535 : vector<16xi32> to vector<16xi32>
        %add3A_537 = arith.constant 96 : i32
        %add3A_538 = arith.addi %min3A_383, %add3A_537 : i32
        %iota3A_539 = tpu.iota {dimensions = array<i32: 0>} : vector<16xi32>
        %add3A_540 = vector.broadcast %add3A_538 : i32 to vector<16xi32>
        %add3A_541 = arith.addi %add3A_540, %iota3A_539 : vector<16xi32>
        %ge3A_542 = vector.broadcast %add3A_36 : i32 to vector<16xi32>
        %ge3A_543 = arith.cmpi sge, %add3A_541, %ge3A_542 : vector<16xi32>
        %lt3A_544 = vector.broadcast %add3A_41 : i32 to vector<16xi32>
        %lt3A_545 = arith.cmpi slt, %add3A_541, %lt3A_544 : vector<16xi32>
        %and3A_546 = arith.andi %ge3A_543, %lt3A_545 : vector<16xi1>
        %ge3A_547 = vector.broadcast %add3A_381 : i32 to vector<16xi32>
        %ge3A_548 = arith.cmpi sge, %add3A_541, %ge3A_547 : vector<16xi32>
        %and3A_549 = arith.andi %and3A_546, %ge3A_548 : vector<16xi1>
        %sub3A_550 = vector.broadcast %mul3A_99 : i32 to vector<16xi32>
        %sub3A_551 = arith.subi %get3A_536, %sub3A_550 : vector<16xi32>
        %jit3A_552 = arith.constant 5000 : i32
        %broadcast_in_dim3A_553 = vector.broadcast %jit3A_552 : i32 to vector<16xi32>
        %select_n3A_554 = arith.select %and3A_549, %sub3A_551, %broadcast_in_dim3A_553 : vector<16xi1>, vector<16xi32>
        %swap3A_555 = arith.constant 96 : index
        %swap3A_556 = tpu.vector_load %arg11[%swap3A_555] {strides = array<i32>} : memref<128xi32, #tpu.memory_space<vmem>>, vector<16xi32>,
        %swap3A_557 = vector.shape_cast %swap3A_556 : vector<16xi32> to vector<16xi32>
        %swap3A_558 = vector.shape_cast %select_n3A_554 : vector<16xi32> to vector<16xi32>
        tpu.vector_store %arg11[%swap3A_555], %swap3A_558 {strides = array<i32>} : memref<128xi32, #tpu.memory_space<vmem>>, vector<16xi32>,
        %get3A_559 = arith.constant 112 : index
        %get3A_560 = tpu.vector_load %arg11[%get3A_559] {strides = array<i32>} : memref<128xi32, #tpu.memory_space<vmem>>, vector<16xi32>,
        %get3A_561 = vector.shape_cast %get3A_560 : vector<16xi32> to vector<16xi32>
        %add3A_562 = arith.constant 112 : i32
        %add3A_563 = arith.addi %min3A_383, %add3A_562 : i32
        %iota3A_564 = tpu.iota {dimensions = array<i32: 0>} : vector<16xi32>
        %add3A_565 = vector.broadcast %add3A_563 : i32 to vector<16xi32>
        %add3A_566 = arith.addi %add3A_565, %iota3A_564 : vector<16xi32>
        %ge3A_567 = vector.broadcast %add3A_36 : i32 to vector<16xi32>
        %ge3A_568 = arith.cmpi sge, %add3A_566, %ge3A_567 : vector<16xi32>
        %lt3A_569 = vector.broadcast %add3A_41 : i32 to vector<16xi32>
        %lt3A_570 = arith.cmpi slt, %add3A_566, %lt3A_569 : vector<16xi32>
        %and3A_571 = arith.andi %ge3A_568, %lt3A_570 : vector<16xi1>
        %ge3A_572 = vector.broadcast %add3A_381 : i32 to vector<16xi32>
        %ge3A_573 = arith.cmpi sge, %add3A_566, %ge3A_572 : vector<16xi32>
        %and3A_574 = arith.andi %and3A_571, %ge3A_573 : vector<16xi1>
        %sub3A_575 = vector.broadcast %mul3A_99 : i32 to vector<16xi32>
        %sub3A_576 = arith.subi %get3A_561, %sub3A_575 : vector<16xi32>
        %jit3A_577 = arith.constant 5000 : i32
        %broadcast_in_dim3A_578 = vector.broadcast %jit3A_577 : i32 to vector<16xi32>
        %select_n3A_579 = arith.select %and3A_574, %sub3A_576, %broadcast_in_dim3A_578 : vector<16xi1>, vector<16xi32>
        %swap3A_580 = arith.constant 112 : index
        %swap3A_581 = tpu.vector_load %arg11[%swap3A_580] {strides = array<i32>} : memref<128xi32, #tpu.memory_space<vmem>>, vector<16xi32>,
        %swap3A_582 = vector.shape_cast %swap3A_581 : vector<16xi32> to vector<16xi32>
        %swap3A_583 = vector.shape_cast %select_n3A_579 : vector<16xi32> to vector<16xi32>
        tpu.vector_store %arg11[%swap3A_580], %swap3A_583 {strides = array<i32>} : memref<128xi32, #tpu.memory_space<vmem>>, vector<16xi32>,
        "tpu.region"() ({
          %run_scoped3A = tpu.sem_alloc : memref<!tpu.dma_semaphore, #tpu.memory_space<semaphore_mem>>
          %dma_start3A = arith.constant 0 : i32
          %dma_start3A_584 = arith.constant 0 : i32
          %dma_start3A_585 = tpu.memref_slice %arg7[%dma_start3A, %dma_start3A_584] : memref<5008x128xf32, #tpu.memory_space<vmem_shared>> -> memref<5008x128xf32, #tpu.memory_space<vmem_shared>>
          tpu.enqueue_indirect_dma source(%arg9 : memref<128x128xf32, #tpu.memory_space<vmem>>) target(%dma_start3A_585 : memref<5008x128xf32, #tpu.memory_space<vmem_shared>>) offsets(%arg11 : memref<128xi32, #tpu.memory_space<vmem>>) semaphore(%run_scoped3A : memref<!tpu.dma_semaphore, #tpu.memory_space<semaphore_mem>>) {add = true}
          %dma_wait3A_586 = arith.constant 0 : i32
          %dma_wait3A_587 = arith.constant 0 : i32
          %dma_wait3A_588 = tpu.memref_slice %arg7[%dma_wait3A_586, %dma_wait3A_587] : memref<5008x128xf32, #tpu.memory_space<vmem_shared>> -> memref<5008x128xf32, #tpu.memory_space<vmem_shared>>
          tpu.wait_indirect_dma semaphore(%run_scoped3A : memref<!tpu.dma_semaphore, #tpu.memory_space<semaphore_mem>>) src(%arg9 : memref<128x128xf32, #tpu.memory_space<vmem>>) dst(%dma_wait3A_588 : memref<5008x128xf32, #tpu.memory_space<vmem_shared>>)
          tpu.yield
        }) : () -> ()
      } else {
      }
    }
    %while3A_136 = arith.constant 1 : i32
    scf.for %while3A_141 = %while3A_134 to %while3A_130 step %while3A_136  : i32 {
      %mul3A_142 = arith.constant 2 : i32
      %mul3A_143 = arith.muli %while3A_141, %mul3A_142 : i32
      %add3A_144 = arith.constant 1 : i32
      %add3A_145 = arith.addi %mul3A_143, %add3A_144 : i32
      %lt3A = arith.cmpi slt, %add3A_145, %max3A_97 : i32
      %convert_element_type3A_146 = arith.extui %lt3A : i1 to i32
      %cond3A_147 = arith.constant 0 : i32
      %cond3A_148 = arith.cmpi ne, %convert_element_type3A_146, %cond3A_147 : i32
      scf.if %cond3A_148 {
        %mul3A_369 = arith.constant 128 : i32
        %mul3A_370 = arith.muli %add3A_145, %mul3A_369 : i32
        %add3A_371 = arith.addi %mul3A_67, %mul3A_370 : i32
        %min3A_372 = arith.constant 319872 : i32
        %min3A_373 = arith.minsi %add3A_371, %min3A_372 : i32
        %dma_start3A = arith.constant 0 : i32
        %dma_start3A_374 = tpu.memref_slice %arg3[%min3A_373, %dma_start3A] : memref<320000x128xf32, #tpu.memory_space<hbm>> -> memref<128x128xf32, #tpu.memory_space<hbm>>
        %dma_start3A_375 = arith.constant 0 : i32
        %dma_start3A_376 = tpu.memref_slice %arg3[%min3A_373, %dma_start3A_375] : memref<320000x128xf32, #tpu.memory_space<hbm>> -> memref<128x128xf32, #tpu.memory_space<hbm>>
        tpu.enqueue_dma source(%dma_start3A_376 : memref<128x128xf32, #tpu.memory_space<hbm>>) target(%arg9 : memref<128x128xf32, #tpu.memory_space<vmem>>) target_semaphore(%arg14 : memref<!tpu.dma_semaphore, #tpu.memory_space<semaphore_mem>>)
        %dma_start3A_377 = tpu.memref_slice %arg4[%min3A_373] : memref<320000xi32, #tpu.memory_space<hbm>> -> memref<128xi32, #tpu.memory_space<hbm>>
        %dma_start3A_378 = tpu.memref_slice %arg4[%min3A_373] : memref<320000xi32, #tpu.memory_space<hbm>> -> memref<128xi32, #tpu.memory_space<hbm>>
        tpu.enqueue_dma source(%dma_start3A_378 : memref<128xi32, #tpu.memory_space<hbm>>) target(%arg11 : memref<128xi32, #tpu.memory_space<vmem>>) target_semaphore(%arg14 : memref<!tpu.dma_semaphore, #tpu.memory_space<semaphore_mem>>)
      } else {
      }
      %dma_wait3A = arith.constant 0 : i32
      %dma_wait3A_149 = arith.constant 0 : i32
      %dma_wait3A_150 = tpu.memref_slice %arg3[%dma_wait3A, %dma_wait3A_149] : memref<320000x128xf32, #tpu.memory_space<hbm>> -> memref<128x128xf32, #tpu.memory_space<hbm>>
      %dma_wait3A_151 = arith.constant 0 : i32
      %dma_wait3A_152 = arith.constant 0 : i32
      %dma_wait3A_153 = tpu.memref_slice %arg3[%dma_wait3A_151, %dma_wait3A_152] : memref<320000x128xf32, #tpu.memory_space<hbm>> -> memref<128x128xf32, #tpu.memory_space<hbm>>
      tpu.wait_dma2 semaphore(%arg13 : memref<!tpu.dma_semaphore, #tpu.memory_space<semaphore_mem>>) src(%dma_wait3A_153 : memref<128x128xf32, #tpu.memory_space<hbm>>) dst(%arg8 : memref<128x128xf32, #tpu.memory_space<vmem>>)
      %dma_wait3A_154 = arith.constant 0 : i32
      %dma_wait3A_155 = tpu.memref_slice %arg4[%dma_wait3A_154] : memref<320000xi32, #tpu.memory_space<hbm>> -> memref<128xi32, #tpu.memory_space<hbm>>
      %dma_wait3A_156 = arith.constant 0 : i32
      %dma_wait3A_157 = tpu.memref_slice %arg4[%dma_wait3A_156] : memref<320000xi32, #tpu.memory_space<hbm>> -> memref<128xi32, #tpu.memory_space<hbm>>
      tpu.wait_dma2 semaphore(%arg13 : memref<!tpu.dma_semaphore, #tpu.memory_space<semaphore_mem>>) src(%dma_wait3A_157 : memref<128xi32, #tpu.memory_space<hbm>>) dst(%arg10 : memref<128xi32, #tpu.memory_space<vmem>>)
      %mul3A_158 = arith.constant 128 : i32
      %mul3A_159 = arith.muli %mul3A_143, %mul3A_158 : i32
      %add3A_160 = arith.addi %mul3A_67, %mul3A_159 : i32
      %min3A_161 = arith.constant 319872 : i32
      %min3A_162 = arith.minsi %add3A_160, %min3A_161 : i32
      %get3A_163 = arith.constant 0 : index
      %get3A_164 = tpu.vector_load %arg10[%get3A_163] {strides = array<i32>} : memref<128xi32, #tpu.memory_space<vmem>>, vector<16xi32>,
      %get3A_165 = vector.shape_cast %get3A_164 : vector<16xi32> to vector<16xi32>
      %add3A_166 = arith.constant 0 : i32
      %add3A_167 = arith.addi %min3A_162, %add3A_166 : i32
      %iota3A = tpu.iota {dimensions = array<i32: 0>} : vector<16xi32>
      %add3A_168 = vector.broadcast %add3A_167 : i32 to vector<16xi32>
      %add3A_169 = arith.addi %add3A_168, %iota3A : vector<16xi32>
      %ge3A = vector.broadcast %add3A_36 : i32 to vector<16xi32>
      %ge3A_170 = arith.cmpi sge, %add3A_169, %ge3A : vector<16xi32>
      %lt3A_171 = vector.broadcast %add3A_41 : i32 to vector<16xi32>
      %lt3A_172 = arith.cmpi slt, %add3A_169, %lt3A_171 : vector<16xi32>
      %and3A_173 = arith.andi %ge3A_170, %lt3A_172 : vector<16xi1>
      %ge3A_174 = vector.broadcast %add3A_160 : i32 to vector<16xi32>
      %ge3A_175 = arith.cmpi sge, %add3A_169, %ge3A_174 : vector<16xi32>
      %and3A_176 = arith.andi %and3A_173, %ge3A_175 : vector<16xi1>
      %sub3A_177 = vector.broadcast %mul3A_99 : i32 to vector<16xi32>
      %sub3A_178 = arith.subi %get3A_165, %sub3A_177 : vector<16xi32>
      %jit3A_179 = arith.constant 5000 : i32
      %broadcast_in_dim3A = vector.broadcast %jit3A_179 : i32 to vector<16xi32>
      %select_n3A_180 = arith.select %and3A_176, %sub3A_178, %broadcast_in_dim3A : vector<16xi1>, vector<16xi32>
      %swap3A = arith.constant 0 : index
      %swap3A_181 = tpu.vector_load %arg10[%swap3A] {strides = array<i32>} : memref<128xi32, #tpu.memory_space<vmem>>, vector<16xi32>,
      %swap3A_182 = vector.shape_cast %swap3A_181 : vector<16xi32> to vector<16xi32>
      %swap3A_183 = vector.shape_cast %select_n3A_180 : vector<16xi32> to vector<16xi32>
      tpu.vector_store %arg10[%swap3A], %swap3A_183 {strides = array<i32>} : memref<128xi32, #tpu.memory_space<vmem>>, vector<16xi32>,
      %get3A_184 = arith.constant 16 : index
      %get3A_185 = tpu.vector_load %arg10[%get3A_184] {strides = array<i32>} : memref<128xi32, #tpu.memory_space<vmem>>, vector<16xi32>,
      %get3A_186 = vector.shape_cast %get3A_185 : vector<16xi32> to vector<16xi32>
      %add3A_187 = arith.constant 16 : i32
      %add3A_188 = arith.addi %min3A_162, %add3A_187 : i32
      %iota3A_189 = tpu.iota {dimensions = array<i32: 0>} : vector<16xi32>
      %add3A_190 = vector.broadcast %add3A_188 : i32 to vector<16xi32>
      %add3A_191 = arith.addi %add3A_190, %iota3A_189 : vector<16xi32>
      %ge3A_192 = vector.broadcast %add3A_36 : i32 to vector<16xi32>
      %ge3A_193 = arith.cmpi sge, %add3A_191, %ge3A_192 : vector<16xi32>
      %lt3A_194 = vector.broadcast %add3A_41 : i32 to vector<16xi32>
      %lt3A_195 = arith.cmpi slt, %add3A_191, %lt3A_194 : vector<16xi32>
      %and3A_196 = arith.andi %ge3A_193, %lt3A_195 : vector<16xi1>
      %ge3A_197 = vector.broadcast %add3A_160 : i32 to vector<16xi32>
      %ge3A_198 = arith.cmpi sge, %add3A_191, %ge3A_197 : vector<16xi32>
      %and3A_199 = arith.andi %and3A_196, %ge3A_198 : vector<16xi1>
      %sub3A_200 = vector.broadcast %mul3A_99 : i32 to vector<16xi32>
      %sub3A_201 = arith.subi %get3A_186, %sub3A_200 : vector<16xi32>
      %jit3A_202 = arith.constant 5000 : i32
      %broadcast_in_dim3A_203 = vector.broadcast %jit3A_202 : i32 to vector<16xi32>
      %select_n3A_204 = arith.select %and3A_199, %sub3A_201, %broadcast_in_dim3A_203 : vector<16xi1>, vector<16xi32>
      %swap3A_205 = arith.constant 16 : index
      %swap3A_206 = tpu.vector_load %arg10[%swap3A_205] {strides = array<i32>} : memref<128xi32, #tpu.memory_space<vmem>>, vector<16xi32>,
      %swap3A_207 = vector.shape_cast %swap3A_206 : vector<16xi32> to vector<16xi32>
      %swap3A_208 = vector.shape_cast %select_n3A_204 : vector<16xi32> to vector<16xi32>
      tpu.vector_store %arg10[%swap3A_205], %swap3A_208 {strides = array<i32>} : memref<128xi32, #tpu.memory_space<vmem>>, vector<16xi32>,
      %get3A_209 = arith.constant 32 : index
      %get3A_210 = tpu.vector_load %arg10[%get3A_209] {strides = array<i32>} : memref<128xi32, #tpu.memory_space<vmem>>, vector<16xi32>,
      %get3A_211 = vector.shape_cast %get3A_210 : vector<16xi32> to vector<16xi32>
      %add3A_212 = arith.constant 32 : i32
      %add3A_213 = arith.addi %min3A_162, %add3A_212 : i32
      %iota3A_214 = tpu.iota {dimensions = array<i32: 0>} : vector<16xi32>
      %add3A_215 = vector.broadcast %add3A_213 : i32 to vector<16xi32>
      %add3A_216 = arith.addi %add3A_215, %iota3A_214 : vector<16xi32>
      %ge3A_217 = vector.broadcast %add3A_36 : i32 to vector<16xi32>
      %ge3A_218 = arith.cmpi sge, %add3A_216, %ge3A_217 : vector<16xi32>
      %lt3A_219 = vector.broadcast %add3A_41 : i32 to vector<16xi32>
      %lt3A_220 = arith.cmpi slt, %add3A_216, %lt3A_219 : vector<16xi32>
      %and3A_221 = arith.andi %ge3A_218, %lt3A_220 : vector<16xi1>
      %ge3A_222 = vector.broadcast %add3A_160 : i32 to vector<16xi32>
      %ge3A_223 = arith.cmpi sge, %add3A_216, %ge3A_222 : vector<16xi32>
      %and3A_224 = arith.andi %and3A_221, %ge3A_223 : vector<16xi1>
      %sub3A_225 = vector.broadcast %mul3A_99 : i32 to vector<16xi32>
      %sub3A_226 = arith.subi %get3A_211, %sub3A_225 : vector<16xi32>
      %jit3A_227 = arith.constant 5000 : i32
      %broadcast_in_dim3A_228 = vector.broadcast %jit3A_227 : i32 to vector<16xi32>
      %select_n3A_229 = arith.select %and3A_224, %sub3A_226, %broadcast_in_dim3A_228 : vector<16xi1>, vector<16xi32>
      %swap3A_230 = arith.constant 32 : index
      %swap3A_231 = tpu.vector_load %arg10[%swap3A_230] {strides = array<i32>} : memref<128xi32, #tpu.memory_space<vmem>>, vector<16xi32>,
      %swap3A_232 = vector.shape_cast %swap3A_231 : vector<16xi32> to vector<16xi32>
      %swap3A_233 = vector.shape_cast %select_n3A_229 : vector<16xi32> to vector<16xi32>
      tpu.vector_store %arg10[%swap3A_230], %swap3A_233 {strides = array<i32>} : memref<128xi32, #tpu.memory_space<vmem>>, vector<16xi32>,
      %get3A_234 = arith.constant 48 : index
      %get3A_235 = tpu.vector_load %arg10[%get3A_234] {strides = array<i32>} : memref<128xi32, #tpu.memory_space<vmem>>, vector<16xi32>,
      %get3A_236 = vector.shape_cast %get3A_235 : vector<16xi32> to vector<16xi32>
      %add3A_237 = arith.constant 48 : i32
      %add3A_238 = arith.addi %min3A_162, %add3A_237 : i32
      %iota3A_239 = tpu.iota {dimensions = array<i32: 0>} : vector<16xi32>
      %add3A_240 = vector.broadcast %add3A_238 : i32 to vector<16xi32>
      %add3A_241 = arith.addi %add3A_240, %iota3A_239 : vector<16xi32>
      %ge3A_242 = vector.broadcast %add3A_36 : i32 to vector<16xi32>
      %ge3A_243 = arith.cmpi sge, %add3A_241, %ge3A_242 : vector<16xi32>
      %lt3A_244 = vector.broadcast %add3A_41 : i32 to vector<16xi32>
      %lt3A_245 = arith.cmpi slt, %add3A_241, %lt3A_244 : vector<16xi32>
      %and3A_246 = arith.andi %ge3A_243, %lt3A_245 : vector<16xi1>
      %ge3A_247 = vector.broadcast %add3A_160 : i32 to vector<16xi32>
      %ge3A_248 = arith.cmpi sge, %add3A_241, %ge3A_247 : vector<16xi32>
      %and3A_249 = arith.andi %and3A_246, %ge3A_248 : vector<16xi1>
      %sub3A_250 = vector.broadcast %mul3A_99 : i32 to vector<16xi32>
      %sub3A_251 = arith.subi %get3A_236, %sub3A_250 : vector<16xi32>
      %jit3A_252 = arith.constant 5000 : i32
      %broadcast_in_dim3A_253 = vector.broadcast %jit3A_252 : i32 to vector<16xi32>
      %select_n3A_254 = arith.select %and3A_249, %sub3A_251, %broadcast_in_dim3A_253 : vector<16xi1>, vector<16xi32>
      %swap3A_255 = arith.constant 48 : index
      %swap3A_256 = tpu.vector_load %arg10[%swap3A_255] {strides = array<i32>} : memref<128xi32, #tpu.memory_space<vmem>>, vector<16xi32>,
      %swap3A_257 = vector.shape_cast %swap3A_256 : vector<16xi32> to vector<16xi32>
      %swap3A_258 = vector.shape_cast %select_n3A_254 : vector<16xi32> to vector<16xi32>
      tpu.vector_store %arg10[%swap3A_255], %swap3A_258 {strides = array<i32>} : memref<128xi32, #tpu.memory_space<vmem>>, vector<16xi32>,
      %get3A_259 = arith.constant 64 : index
      %get3A_260 = tpu.vector_load %arg10[%get3A_259] {strides = array<i32>} : memref<128xi32, #tpu.memory_space<vmem>>, vector<16xi32>,
      %get3A_261 = vector.shape_cast %get3A_260 : vector<16xi32> to vector<16xi32>
      %add3A_262 = arith.constant 64 : i32
      %add3A_263 = arith.addi %min3A_162, %add3A_262 : i32
      %iota3A_264 = tpu.iota {dimensions = array<i32: 0>} : vector<16xi32>
      %add3A_265 = vector.broadcast %add3A_263 : i32 to vector<16xi32>
      %add3A_266 = arith.addi %add3A_265, %iota3A_264 : vector<16xi32>
      %ge3A_267 = vector.broadcast %add3A_36 : i32 to vector<16xi32>
      %ge3A_268 = arith.cmpi sge, %add3A_266, %ge3A_267 : vector<16xi32>
      %lt3A_269 = vector.broadcast %add3A_41 : i32 to vector<16xi32>
      %lt3A_270 = arith.cmpi slt, %add3A_266, %lt3A_269 : vector<16xi32>
      %and3A_271 = arith.andi %ge3A_268, %lt3A_270 : vector<16xi1>
      %ge3A_272 = vector.broadcast %add3A_160 : i32 to vector<16xi32>
      %ge3A_273 = arith.cmpi sge, %add3A_266, %ge3A_272 : vector<16xi32>
      %and3A_274 = arith.andi %and3A_271, %ge3A_273 : vector<16xi1>
      %sub3A_275 = vector.broadcast %mul3A_99 : i32 to vector<16xi32>
      %sub3A_276 = arith.subi %get3A_261, %sub3A_275 : vector<16xi32>
      %jit3A_277 = arith.constant 5000 : i32
      %broadcast_in_dim3A_278 = vector.broadcast %jit3A_277 : i32 to vector<16xi32>
      %select_n3A_279 = arith.select %and3A_274, %sub3A_276, %broadcast_in_dim3A_278 : vector<16xi1>, vector<16xi32>
      %swap3A_280 = arith.constant 64 : index
      %swap3A_281 = tpu.vector_load %arg10[%swap3A_280] {strides = array<i32>} : memref<128xi32, #tpu.memory_space<vmem>>, vector<16xi32>,
      %swap3A_282 = vector.shape_cast %swap3A_281 : vector<16xi32> to vector<16xi32>
      %swap3A_283 = vector.shape_cast %select_n3A_279 : vector<16xi32> to vector<16xi32>
      tpu.vector_store %arg10[%swap3A_280], %swap3A_283 {strides = array<i32>} : memref<128xi32, #tpu.memory_space<vmem>>, vector<16xi32>,
      %get3A_284 = arith.constant 80 : index
      %get3A_285 = tpu.vector_load %arg10[%get3A_284] {strides = array<i32>} : memref<128xi32, #tpu.memory_space<vmem>>, vector<16xi32>,
      %get3A_286 = vector.shape_cast %get3A_285 : vector<16xi32> to vector<16xi32>
      %add3A_287 = arith.constant 80 : i32
      %add3A_288 = arith.addi %min3A_162, %add3A_287 : i32
      %iota3A_289 = tpu.iota {dimensions = array<i32: 0>} : vector<16xi32>
      %add3A_290 = vector.broadcast %add3A_288 : i32 to vector<16xi32>
      %add3A_291 = arith.addi %add3A_290, %iota3A_289 : vector<16xi32>
      %ge3A_292 = vector.broadcast %add3A_36 : i32 to vector<16xi32>
      %ge3A_293 = arith.cmpi sge, %add3A_291, %ge3A_292 : vector<16xi32>
      %lt3A_294 = vector.broadcast %add3A_41 : i32 to vector<16xi32>
      %lt3A_295 = arith.cmpi slt, %add3A_291, %lt3A_294 : vector<16xi32>
      %and3A_296 = arith.andi %ge3A_293, %lt3A_295 : vector<16xi1>
      %ge3A_297 = vector.broadcast %add3A_160 : i32 to vector<16xi32>
      %ge3A_298 = arith.cmpi sge, %add3A_291, %ge3A_297 : vector<16xi32>
      %and3A_299 = arith.andi %and3A_296, %ge3A_298 : vector<16xi1>
      %sub3A_300 = vector.broadcast %mul3A_99 : i32 to vector<16xi32>
      %sub3A_301 = arith.subi %get3A_286, %sub3A_300 : vector<16xi32>
      %jit3A_302 = arith.constant 5000 : i32
      %broadcast_in_dim3A_303 = vector.broadcast %jit3A_302 : i32 to vector<16xi32>
      %select_n3A_304 = arith.select %and3A_299, %sub3A_301, %broadcast_in_dim3A_303 : vector<16xi1>, vector<16xi32>
      %swap3A_305 = arith.constant 80 : index
      %swap3A_306 = tpu.vector_load %arg10[%swap3A_305] {strides = array<i32>} : memref<128xi32, #tpu.memory_space<vmem>>, vector<16xi32>,
      %swap3A_307 = vector.shape_cast %swap3A_306 : vector<16xi32> to vector<16xi32>
      %swap3A_308 = vector.shape_cast %select_n3A_304 : vector<16xi32> to vector<16xi32>
      tpu.vector_store %arg10[%swap3A_305], %swap3A_308 {strides = array<i32>} : memref<128xi32, #tpu.memory_space<vmem>>, vector<16xi32>,
      %get3A_309 = arith.constant 96 : index
      %get3A_310 = tpu.vector_load %arg10[%get3A_309] {strides = array<i32>} : memref<128xi32, #tpu.memory_space<vmem>>, vector<16xi32>,
      %get3A_311 = vector.shape_cast %get3A_310 : vector<16xi32> to vector<16xi32>
      %add3A_312 = arith.constant 96 : i32
      %add3A_313 = arith.addi %min3A_162, %add3A_312 : i32
      %iota3A_314 = tpu.iota {dimensions = array<i32: 0>} : vector<16xi32>
      %add3A_315 = vector.broadcast %add3A_313 : i32 to vector<16xi32>
      %add3A_316 = arith.addi %add3A_315, %iota3A_314 : vector<16xi32>
      %ge3A_317 = vector.broadcast %add3A_36 : i32 to vector<16xi32>
      %ge3A_318 = arith.cmpi sge, %add3A_316, %ge3A_317 : vector<16xi32>
      %lt3A_319 = vector.broadcast %add3A_41 : i32 to vector<16xi32>
      %lt3A_320 = arith.cmpi slt, %add3A_316, %lt3A_319 : vector<16xi32>
      %and3A_321 = arith.andi %ge3A_318, %lt3A_320 : vector<16xi1>
      %ge3A_322 = vector.broadcast %add3A_160 : i32 to vector<16xi32>
      %ge3A_323 = arith.cmpi sge, %add3A_316, %ge3A_322 : vector<16xi32>
      %and3A_324 = arith.andi %and3A_321, %ge3A_323 : vector<16xi1>
      %sub3A_325 = vector.broadcast %mul3A_99 : i32 to vector<16xi32>
      %sub3A_326 = arith.subi %get3A_311, %sub3A_325 : vector<16xi32>
      %jit3A_327 = arith.constant 5000 : i32
      %broadcast_in_dim3A_328 = vector.broadcast %jit3A_327 : i32 to vector<16xi32>
      %select_n3A_329 = arith.select %and3A_324, %sub3A_326, %broadcast_in_dim3A_328 : vector<16xi1>, vector<16xi32>
      %swap3A_330 = arith.constant 96 : index
      %swap3A_331 = tpu.vector_load %arg10[%swap3A_330] {strides = array<i32>} : memref<128xi32, #tpu.memory_space<vmem>>, vector<16xi32>,
      %swap3A_332 = vector.shape_cast %swap3A_331 : vector<16xi32> to vector<16xi32>
      %swap3A_333 = vector.shape_cast %select_n3A_329 : vector<16xi32> to vector<16xi32>
      tpu.vector_store %arg10[%swap3A_330], %swap3A_333 {strides = array<i32>} : memref<128xi32, #tpu.memory_space<vmem>>, vector<16xi32>,
      %get3A_334 = arith.constant 112 : index
      %get3A_335 = tpu.vector_load %arg10[%get3A_334] {strides = array<i32>} : memref<128xi32, #tpu.memory_space<vmem>>, vector<16xi32>,
      %get3A_336 = vector.shape_cast %get3A_335 : vector<16xi32> to vector<16xi32>
      %add3A_337 = arith.constant 112 : i32
      %add3A_338 = arith.addi %min3A_162, %add3A_337 : i32
      %iota3A_339 = tpu.iota {dimensions = array<i32: 0>} : vector<16xi32>
      %add3A_340 = vector.broadcast %add3A_338 : i32 to vector<16xi32>
      %add3A_341 = arith.addi %add3A_340, %iota3A_339 : vector<16xi32>
      %ge3A_342 = vector.broadcast %add3A_36 : i32 to vector<16xi32>
      %ge3A_343 = arith.cmpi sge, %add3A_341, %ge3A_342 : vector<16xi32>
      %lt3A_344 = vector.broadcast %add3A_41 : i32 to vector<16xi32>
      %lt3A_345 = arith.cmpi slt, %add3A_341, %lt3A_344 : vector<16xi32>
      %and3A_346 = arith.andi %ge3A_343, %lt3A_345 : vector<16xi1>
      %ge3A_347 = vector.broadcast %add3A_160 : i32 to vector<16xi32>
      %ge3A_348 = arith.cmpi sge, %add3A_341, %ge3A_347 : vector<16xi32>
      %and3A_349 = arith.andi %and3A_346, %ge3A_348 : vector<16xi1>
      %sub3A_350 = vector.broadcast %mul3A_99 : i32 to vector<16xi32>
      %sub3A_351 = arith.subi %get3A_336, %sub3A_350 : vector<16xi32>
      %jit3A_352 = arith.constant 5000 : i32
      %broadcast_in_dim3A_353 = vector.broadcast %jit3A_352 : i32 to vector<16xi32>
      %select_n3A_354 = arith.select %and3A_349, %sub3A_351, %broadcast_in_dim3A_353 : vector<16xi1>, vector<16xi32>
      %swap3A_355 = arith.constant 112 : index
      %swap3A_356 = tpu.vector_load %arg10[%swap3A_355] {strides = array<i32>} : memref<128xi32, #tpu.memory_space<vmem>>, vector<16xi32>,
      %swap3A_357 = vector.shape_cast %swap3A_356 : vector<16xi32> to vector<16xi32>
      %swap3A_358 = vector.shape_cast %select_n3A_354 : vector<16xi32> to vector<16xi32>
      tpu.vector_store %arg10[%swap3A_355], %swap3A_358 {strides = array<i32>} : memref<128xi32, #tpu.memory_space<vmem>>, vector<16xi32>,
      "tpu.region"() ({
        %run_scoped3A = tpu.sem_alloc : memref<!tpu.dma_semaphore, #tpu.memory_space<semaphore_mem>>
        %dma_start3A = arith.constant 0 : i32
        %dma_start3A_369 = arith.constant 0 : i32
        %dma_start3A_370 = tpu.memref_slice %arg7[%dma_start3A, %dma_start3A_369] : memref<5008x128xf32, #tpu.memory_space<vmem_shared>> -> memref<5008x128xf32, #tpu.memory_space<vmem_shared>>
        tpu.enqueue_indirect_dma source(%arg8 : memref<128x128xf32, #tpu.memory_space<vmem>>) target(%dma_start3A_370 : memref<5008x128xf32, #tpu.memory_space<vmem_shared>>) offsets(%arg10 : memref<128xi32, #tpu.memory_space<vmem>>) semaphore(%run_scoped3A : memref<!tpu.dma_semaphore, #tpu.memory_space<semaphore_mem>>) {add = true}
        %dma_wait3A_371 = arith.constant 0 : i32
        %dma_wait3A_372 = arith.constant 0 : i32
        %dma_wait3A_373 = tpu.memref_slice %arg7[%dma_wait3A_371, %dma_wait3A_372] : memref<5008x128xf32, #tpu.memory_space<vmem_shared>> -> memref<5008x128xf32, #tpu.memory_space<vmem_shared>>
        tpu.wait_indirect_dma semaphore(%run_scoped3A : memref<!tpu.dma_semaphore, #tpu.memory_space<semaphore_mem>>) src(%arg8 : memref<128x128xf32, #tpu.memory_space<vmem>>) dst(%dma_wait3A_373 : memref<5008x128xf32, #tpu.memory_space<vmem_shared>>)
        tpu.yield
      }) : () -> ()
      %add3A_359 = arith.constant 2 : i32
      %add3A_360 = arith.addi %mul3A_143, %add3A_359 : i32
      %lt3A_361 = arith.cmpi slt, %add3A_360, %max3A_97 : i32
      %convert_element_type3A_362 = arith.extui %lt3A_361 : i1 to i32
      %cond3A_363 = arith.constant 0 : i32
      %cond3A_364 = arith.cmpi ne, %convert_element_type3A_362, %cond3A_363 : i32
      scf.if %cond3A_364 {
        %add3A_369 = arith.constant 2 : i32
        %add3A_370 = arith.addi %mul3A_143, %add3A_369 : i32
        %mul3A_371 = arith.constant 128 : i32
        %mul3A_372 = arith.muli %add3A_370, %mul3A_371 : i32
        %add3A_373 = arith.addi %mul3A_67, %mul3A_372 : i32
        %min3A_374 = arith.constant 319872 : i32
        %min3A_375 = arith.minsi %add3A_373, %min3A_374 : i32
        %dma_start3A = arith.constant 0 : i32
        %dma_start3A_376 = tpu.memref_slice %arg3[%min3A_375, %dma_start3A] : memref<320000x128xf32, #tpu.memory_space<hbm>> -> memref<128x128xf32, #tpu.memory_space<hbm>>
        %dma_start3A_377 = arith.constant 0 : i32
        %dma_start3A_378 = tpu.memref_slice %arg3[%min3A_375, %dma_start3A_377] : memref<320000x128xf32, #tpu.memory_space<hbm>> -> memref<128x128xf32, #tpu.memory_space<hbm>>
        tpu.enqueue_dma source(%dma_start3A_378 : memref<128x128xf32, #tpu.memory_space<hbm>>) target(%arg8 : memref<128x128xf32, #tpu.memory_space<vmem>>) target_semaphore(%arg13 : memref<!tpu.dma_semaphore, #tpu.memory_space<semaphore_mem>>)
        %dma_start3A_379 = tpu.memref_slice %arg4[%min3A_375] : memref<320000xi32, #tpu.memory_space<hbm>> -> memref<128xi32, #tpu.memory_space<hbm>>
        %dma_start3A_380 = tpu.memref_slice %arg4[%min3A_375] : memref<320000xi32, #tpu.memory_space<hbm>> -> memref<128xi32, #tpu.memory_space<hbm>>
        tpu.enqueue_dma source(%dma_start3A_380 : memref<128xi32, #tpu.memory_space<hbm>>) target(%arg10 : memref<128xi32, #tpu.memory_space<vmem>>) target_semaphore(%arg13 : memref<!tpu.dma_semaphore, #tpu.memory_space<semaphore_mem>>)
      } else {
      }
      %lt3A_365 = arith.cmpi slt, %add3A_145, %max3A_97 : i32
      %convert_element_type3A_366 = arith.extui %lt3A_365 : i1 to i32
      %cond3A_367 = arith.constant 0 : i32
      %cond3A_368 = arith.cmpi ne, %convert_element_type3A_366, %cond3A_367 : i32
      scf.if %cond3A_368 {
        %dma_wait3A_369 = arith.constant 0 : i32
        %dma_wait3A_370 = arith.constant 0 : i32
        %dma_wait3A_371 = tpu.memref_slice %arg3[%dma_wait3A_369, %dma_wait3A_370] : memref<320000x128xf32, #tpu.memory_space<hbm>> -> memref<128x128xf32, #tpu.memory_space<hbm>>
        %dma_wait3A_372 = arith.constant 0 : i32
        %dma_wait3A_373 = arith.constant 0 : i32
        %dma_wait3A_374 = tpu.memref_slice %arg3[%dma_wait3A_372, %dma_wait3A_373] : memref<320000x128xf32, #tpu.memory_space<hbm>> -> memref<128x128xf32, #tpu.memory_space<hbm>>
        tpu.wait_dma2 semaphore(%arg14 : memref<!tpu.dma_semaphore, #tpu.memory_space<semaphore_mem>>) src(%dma_wait3A_374 : memref<128x128xf32, #tpu.memory_space<hbm>>) dst(%arg9 : memref<128x128xf32, #tpu.memory_space<vmem>>)
        %dma_wait3A_375 = arith.constant 0 : i32
        %dma_wait3A_376 = tpu.memref_slice %arg4[%dma_wait3A_375] : memref<320000xi32, #tpu.memory_space<hbm>> -> memref<128xi32, #tpu.memory_space<hbm>>
        %dma_wait3A_377 = arith.constant 0 : i32
        %dma_wait3A_378 = tpu.memref_slice %arg4[%dma_wait3A_377] : memref<320000xi32, #tpu.memory_space<hbm>> -> memref<128xi32, #tpu.memory_space<hbm>>
        tpu.wait_dma2 semaphore(%arg14 : memref<!tpu.dma_semaphore, #tpu.memory_space<semaphore_mem>>) src(%dma_wait3A_378 : memref<128xi32, #tpu.memory_space<hbm>>) dst(%arg11 : memref<128xi32, #tpu.memory_space<vmem>>)
        %mul3A_379 = arith.constant 128 : i32
        %mul3A_380 = arith.muli %add3A_145, %mul3A_379 : i32
        %add3A_381 = arith.addi %mul3A_67, %mul3A_380 : i32
        %min3A_382 = arith.constant 319872 : i32
        %min3A_383 = arith.minsi %add3A_381, %min3A_382 : i32
        %get3A_384 = arith.constant 0 : index
        %get3A_385 = tpu.vector_load %arg11[%get3A_384] {strides = array<i32>} : memref<128xi32, #tpu.memory_space<vmem>>, vector<16xi32>,
        %get3A_386 = vector.shape_cast %get3A_385 : vector<16xi32> to vector<16xi32>
        %add3A_387 = arith.constant 0 : i32
        %add3A_388 = arith.addi %min3A_383, %add3A_387 : i32
        %iota3A_389 = tpu.iota {dimensions = array<i32: 0>} : vector<16xi32>
        %add3A_390 = vector.broadcast %add3A_388 : i32 to vector<16xi32>
        %add3A_391 = arith.addi %add3A_390, %iota3A_389 : vector<16xi32>
        %ge3A_392 = vector.broadcast %add3A_36 : i32 to vector<16xi32>
        %ge3A_393 = arith.cmpi sge, %add3A_391, %ge3A_392 : vector<16xi32>
        %lt3A_394 = vector.broadcast %add3A_41 : i32 to vector<16xi32>
        %lt3A_395 = arith.cmpi slt, %add3A_391, %lt3A_394 : vector<16xi32>
        %and3A_396 = arith.andi %ge3A_393, %lt3A_395 : vector<16xi1>
        %ge3A_397 = vector.broadcast %add3A_381 : i32 to vector<16xi32>
        %ge3A_398 = arith.cmpi sge, %add3A_391, %ge3A_397 : vector<16xi32>
        %and3A_399 = arith.andi %and3A_396, %ge3A_398 : vector<16xi1>
        %sub3A_400 = vector.broadcast %mul3A_99 : i32 to vector<16xi32>
        %sub3A_401 = arith.subi %get3A_386, %sub3A_400 : vector<16xi32>
        %jit3A_402 = arith.constant 5000 : i32
        %broadcast_in_dim3A_403 = vector.broadcast %jit3A_402 : i32 to vector<16xi32>
        %select_n3A_404 = arith.select %and3A_399, %sub3A_401, %broadcast_in_dim3A_403 : vector<16xi1>, vector<16xi32>
        %swap3A_405 = arith.constant 0 : index
        %swap3A_406 = tpu.vector_load %arg11[%swap3A_405] {strides = array<i32>} : memref<128xi32, #tpu.memory_space<vmem>>, vector<16xi32>,
        %swap3A_407 = vector.shape_cast %swap3A_406 : vector<16xi32> to vector<16xi32>
        %swap3A_408 = vector.shape_cast %select_n3A_404 : vector<16xi32> to vector<16xi32>
        tpu.vector_store %arg11[%swap3A_405], %swap3A_408 {strides = array<i32>} : memref<128xi32, #tpu.memory_space<vmem>>, vector<16xi32>,
        %get3A_409 = arith.constant 16 : index
        %get3A_410 = tpu.vector_load %arg11[%get3A_409] {strides = array<i32>} : memref<128xi32, #tpu.memory_space<vmem>>, vector<16xi32>,
        %get3A_411 = vector.shape_cast %get3A_410 : vector<16xi32> to vector<16xi32>
        %add3A_412 = arith.constant 16 : i32
        %add3A_413 = arith.addi %min3A_383, %add3A_412 : i32
        %iota3A_414 = tpu.iota {dimensions = array<i32: 0>} : vector<16xi32>
        %add3A_415 = vector.broadcast %add3A_413 : i32 to vector<16xi32>
        %add3A_416 = arith.addi %add3A_415, %iota3A_414 : vector<16xi32>
        %ge3A_417 = vector.broadcast %add3A_36 : i32 to vector<16xi32>
        %ge3A_418 = arith.cmpi sge, %add3A_416, %ge3A_417 : vector<16xi32>
        %lt3A_419 = vector.broadcast %add3A_41 : i32 to vector<16xi32>
        %lt3A_420 = arith.cmpi slt, %add3A_416, %lt3A_419 : vector<16xi32>
        %and3A_421 = arith.andi %ge3A_418, %lt3A_420 : vector<16xi1>
        %ge3A_422 = vector.broadcast %add3A_381 : i32 to vector<16xi32>
        %ge3A_423 = arith.cmpi sge, %add3A_416, %ge3A_422 : vector<16xi32>
        %and3A_424 = arith.andi %and3A_421, %ge3A_423 : vector<16xi1>
        %sub3A_425 = vector.broadcast %mul3A_99 : i32 to vector<16xi32>
        %sub3A_426 = arith.subi %get3A_411, %sub3A_425 : vector<16xi32>
        %jit3A_427 = arith.constant 5000 : i32
        %broadcast_in_dim3A_428 = vector.broadcast %jit3A_427 : i32 to vector<16xi32>
        %select_n3A_429 = arith.select %and3A_424, %sub3A_426, %broadcast_in_dim3A_428 : vector<16xi1>, vector<16xi32>
        %swap3A_430 = arith.constant 16 : index
        %swap3A_431 = tpu.vector_load %arg11[%swap3A_430] {strides = array<i32>} : memref<128xi32, #tpu.memory_space<vmem>>, vector<16xi32>,
        %swap3A_432 = vector.shape_cast %swap3A_431 : vector<16xi32> to vector<16xi32>
        %swap3A_433 = vector.shape_cast %select_n3A_429 : vector<16xi32> to vector<16xi32>
        tpu.vector_store %arg11[%swap3A_430], %swap3A_433 {strides = array<i32>} : memref<128xi32, #tpu.memory_space<vmem>>, vector<16xi32>,
        %get3A_434 = arith.constant 32 : index
        %get3A_435 = tpu.vector_load %arg11[%get3A_434] {strides = array<i32>} : memref<128xi32, #tpu.memory_space<vmem>>, vector<16xi32>,
        %get3A_436 = vector.shape_cast %get3A_435 : vector<16xi32> to vector<16xi32>
        %add3A_437 = arith.constant 32 : i32
        %add3A_438 = arith.addi %min3A_383, %add3A_437 : i32
        %iota3A_439 = tpu.iota {dimensions = array<i32: 0>} : vector<16xi32>
        %add3A_440 = vector.broadcast %add3A_438 : i32 to vector<16xi32>
        %add3A_441 = arith.addi %add3A_440, %iota3A_439 : vector<16xi32>
        %ge3A_442 = vector.broadcast %add3A_36 : i32 to vector<16xi32>
        %ge3A_443 = arith.cmpi sge, %add3A_441, %ge3A_442 : vector<16xi32>
        %lt3A_444 = vector.broadcast %add3A_41 : i32 to vector<16xi32>
        %lt3A_445 = arith.cmpi slt, %add3A_441, %lt3A_444 : vector<16xi32>
        %and3A_446 = arith.andi %ge3A_443, %lt3A_445 : vector<16xi1>
        %ge3A_447 = vector.broadcast %add3A_381 : i32 to vector<16xi32>
        %ge3A_448 = arith.cmpi sge, %add3A_441, %ge3A_447 : vector<16xi32>
        %and3A_449 = arith.andi %and3A_446, %ge3A_448 : vector<16xi1>
        %sub3A_450 = vector.broadcast %mul3A_99 : i32 to vector<16xi32>
        %sub3A_451 = arith.subi %get3A_436, %sub3A_450 : vector<16xi32>
        %jit3A_452 = arith.constant 5000 : i32
        %broadcast_in_dim3A_453 = vector.broadcast %jit3A_452 : i32 to vector<16xi32>
        %select_n3A_454 = arith.select %and3A_449, %sub3A_451, %broadcast_in_dim3A_453 : vector<16xi1>, vector<16xi32>
        %swap3A_455 = arith.constant 32 : index
        %swap3A_456 = tpu.vector_load %arg11[%swap3A_455] {strides = array<i32>} : memref<128xi32, #tpu.memory_space<vmem>>, vector<16xi32>,
        %swap3A_457 = vector.shape_cast %swap3A_456 : vector<16xi32> to vector<16xi32>
        %swap3A_458 = vector.shape_cast %select_n3A_454 : vector<16xi32> to vector<16xi32>
        tpu.vector_store %arg11[%swap3A_455], %swap3A_458 {strides = array<i32>} : memref<128xi32, #tpu.memory_space<vmem>>, vector<16xi32>,
        %get3A_459 = arith.constant 48 : index
        %get3A_460 = tpu.vector_load %arg11[%get3A_459] {strides = array<i32>} : memref<128xi32, #tpu.memory_space<vmem>>, vector<16xi32>,
        %get3A_461 = vector.shape_cast %get3A_460 : vector<16xi32> to vector<16xi32>
        %add3A_462 = arith.constant 48 : i32
        %add3A_463 = arith.addi %min3A_383, %add3A_462 : i32
        %iota3A_464 = tpu.iota {dimensions = array<i32: 0>} : vector<16xi32>
        %add3A_465 = vector.broadcast %add3A_463 : i32 to vector<16xi32>
        %add3A_466 = arith.addi %add3A_465, %iota3A_464 : vector<16xi32>
        %ge3A_467 = vector.broadcast %add3A_36 : i32 to vector<16xi32>
        %ge3A_468 = arith.cmpi sge, %add3A_466, %ge3A_467 : vector<16xi32>
        %lt3A_469 = vector.broadcast %add3A_41 : i32 to vector<16xi32>
        %lt3A_470 = arith.cmpi slt, %add3A_466, %lt3A_469 : vector<16xi32>
        %and3A_471 = arith.andi %ge3A_468, %lt3A_470 : vector<16xi1>
        %ge3A_472 = vector.broadcast %add3A_381 : i32 to vector<16xi32>
        %ge3A_473 = arith.cmpi sge, %add3A_466, %ge3A_472 : vector<16xi32>
        %and3A_474 = arith.andi %and3A_471, %ge3A_473 : vector<16xi1>
        %sub3A_475 = vector.broadcast %mul3A_99 : i32 to vector<16xi32>
        %sub3A_476 = arith.subi %get3A_461, %sub3A_475 : vector<16xi32>
        %jit3A_477 = arith.constant 5000 : i32
        %broadcast_in_dim3A_478 = vector.broadcast %jit3A_477 : i32 to vector<16xi32>
        %select_n3A_479 = arith.select %and3A_474, %sub3A_476, %broadcast_in_dim3A_478 : vector<16xi1>, vector<16xi32>
        %swap3A_480 = arith.constant 48 : index
        %swap3A_481 = tpu.vector_load %arg11[%swap3A_480] {strides = array<i32>} : memref<128xi32, #tpu.memory_space<vmem>>, vector<16xi32>,
        %swap3A_482 = vector.shape_cast %swap3A_481 : vector<16xi32> to vector<16xi32>
        %swap3A_483 = vector.shape_cast %select_n3A_479 : vector<16xi32> to vector<16xi32>
        tpu.vector_store %arg11[%swap3A_480], %swap3A_483 {strides = array<i32>} : memref<128xi32, #tpu.memory_space<vmem>>, vector<16xi32>,
        %get3A_484 = arith.constant 64 : index
        %get3A_485 = tpu.vector_load %arg11[%get3A_484] {strides = array<i32>} : memref<128xi32, #tpu.memory_space<vmem>>, vector<16xi32>,
        %get3A_486 = vector.shape_cast %get3A_485 : vector<16xi32> to vector<16xi32>
        %add3A_487 = arith.constant 64 : i32
        %add3A_488 = arith.addi %min3A_383, %add3A_487 : i32
        %iota3A_489 = tpu.iota {dimensions = array<i32: 0>} : vector<16xi32>
        %add3A_490 = vector.broadcast %add3A_488 : i32 to vector<16xi32>
        %add3A_491 = arith.addi %add3A_490, %iota3A_489 : vector<16xi32>
        %ge3A_492 = vector.broadcast %add3A_36 : i32 to vector<16xi32>
        %ge3A_493 = arith.cmpi sge, %add3A_491, %ge3A_492 : vector<16xi32>
        %lt3A_494 = vector.broadcast %add3A_41 : i32 to vector<16xi32>
        %lt3A_495 = arith.cmpi slt, %add3A_491, %lt3A_494 : vector<16xi32>
        %and3A_496 = arith.andi %ge3A_493, %lt3A_495 : vector<16xi1>
        %ge3A_497 = vector.broadcast %add3A_381 : i32 to vector<16xi32>
        %ge3A_498 = arith.cmpi sge, %add3A_491, %ge3A_497 : vector<16xi32>
        %and3A_499 = arith.andi %and3A_496, %ge3A_498 : vector<16xi1>
        %sub3A_500 = vector.broadcast %mul3A_99 : i32 to vector<16xi32>
        %sub3A_501 = arith.subi %get3A_486, %sub3A_500 : vector<16xi32>
        %jit3A_502 = arith.constant 5000 : i32
        %broadcast_in_dim3A_503 = vector.broadcast %jit3A_502 : i32 to vector<16xi32>
        %select_n3A_504 = arith.select %and3A_499, %sub3A_501, %broadcast_in_dim3A_503 : vector<16xi1>, vector<16xi32>
        %swap3A_505 = arith.constant 64 : index
        %swap3A_506 = tpu.vector_load %arg11[%swap3A_505] {strides = array<i32>} : memref<128xi32, #tpu.memory_space<vmem>>, vector<16xi32>,
        %swap3A_507 = vector.shape_cast %swap3A_506 : vector<16xi32> to vector<16xi32>
        %swap3A_508 = vector.shape_cast %select_n3A_504 : vector<16xi32> to vector<16xi32>
        tpu.vector_store %arg11[%swap3A_505], %swap3A_508 {strides = array<i32>} : memref<128xi32, #tpu.memory_space<vmem>>, vector<16xi32>,
        %get3A_509 = arith.constant 80 : index
        %get3A_510 = tpu.vector_load %arg11[%get3A_509] {strides = array<i32>} : memref<128xi32, #tpu.memory_space<vmem>>, vector<16xi32>,
        %get3A_511 = vector.shape_cast %get3A_510 : vector<16xi32> to vector<16xi32>
        %add3A_512 = arith.constant 80 : i32
        %add3A_513 = arith.addi %min3A_383, %add3A_512 : i32
        %iota3A_514 = tpu.iota {dimensions = array<i32: 0>} : vector<16xi32>
        %add3A_515 = vector.broadcast %add3A_513 : i32 to vector<16xi32>
        %add3A_516 = arith.addi %add3A_515, %iota3A_514 : vector<16xi32>
        %ge3A_517 = vector.broadcast %add3A_36 : i32 to vector<16xi32>
        %ge3A_518 = arith.cmpi sge, %add3A_516, %ge3A_517 : vector<16xi32>
        %lt3A_519 = vector.broadcast %add3A_41 : i32 to vector<16xi32>
        %lt3A_520 = arith.cmpi slt, %add3A_516, %lt3A_519 : vector<16xi32>
        %and3A_521 = arith.andi %ge3A_518, %lt3A_520 : vector<16xi1>
        %ge3A_522 = vector.broadcast %add3A_381 : i32 to vector<16xi32>
        %ge3A_523 = arith.cmpi sge, %add3A_516, %ge3A_522 : vector<16xi32>
        %and3A_524 = arith.andi %and3A_521, %ge3A_523 : vector<16xi1>
        %sub3A_525 = vector.broadcast %mul3A_99 : i32 to vector<16xi32>
        %sub3A_526 = arith.subi %get3A_511, %sub3A_525 : vector<16xi32>
        %jit3A_527 = arith.constant 5000 : i32
        %broadcast_in_dim3A_528 = vector.broadcast %jit3A_527 : i32 to vector<16xi32>
        %select_n3A_529 = arith.select %and3A_524, %sub3A_526, %broadcast_in_dim3A_528 : vector<16xi1>, vector<16xi32>
        %swap3A_530 = arith.constant 80 : index
        %swap3A_531 = tpu.vector_load %arg11[%swap3A_530] {strides = array<i32>} : memref<128xi32, #tpu.memory_space<vmem>>, vector<16xi32>,
        %swap3A_532 = vector.shape_cast %swap3A_531 : vector<16xi32> to vector<16xi32>
        %swap3A_533 = vector.shape_cast %select_n3A_529 : vector<16xi32> to vector<16xi32>
        tpu.vector_store %arg11[%swap3A_530], %swap3A_533 {strides = array<i32>} : memref<128xi32, #tpu.memory_space<vmem>>, vector<16xi32>,
        %get3A_534 = arith.constant 96 : index
        %get3A_535 = tpu.vector_load %arg11[%get3A_534] {strides = array<i32>} : memref<128xi32, #tpu.memory_space<vmem>>, vector<16xi32>,
        %get3A_536 = vector.shape_cast %get3A_535 : vector<16xi32> to vector<16xi32>
        %add3A_537 = arith.constant 96 : i32
        %add3A_538 = arith.addi %min3A_383, %add3A_537 : i32
        %iota3A_539 = tpu.iota {dimensions = array<i32: 0>} : vector<16xi32>
        %add3A_540 = vector.broadcast %add3A_538 : i32 to vector<16xi32>
        %add3A_541 = arith.addi %add3A_540, %iota3A_539 : vector<16xi32>
        %ge3A_542 = vector.broadcast %add3A_36 : i32 to vector<16xi32>
        %ge3A_543 = arith.cmpi sge, %add3A_541, %ge3A_542 : vector<16xi32>
        %lt3A_544 = vector.broadcast %add3A_41 : i32 to vector<16xi32>
        %lt3A_545 = arith.cmpi slt, %add3A_541, %lt3A_544 : vector<16xi32>
        %and3A_546 = arith.andi %ge3A_543, %lt3A_545 : vector<16xi1>
        %ge3A_547 = vector.broadcast %add3A_381 : i32 to vector<16xi32>
        %ge3A_548 = arith.cmpi sge, %add3A_541, %ge3A_547 : vector<16xi32>
        %and3A_549 = arith.andi %and3A_546, %ge3A_548 : vector<16xi1>
        %sub3A_550 = vector.broadcast %mul3A_99 : i32 to vector<16xi32>
        %sub3A_551 = arith.subi %get3A_536, %sub3A_550 : vector<16xi32>
        %jit3A_552 = arith.constant 5000 : i32
        %broadcast_in_dim3A_553 = vector.broadcast %jit3A_552 : i32 to vector<16xi32>
        %select_n3A_554 = arith.select %and3A_549, %sub3A_551, %broadcast_in_dim3A_553 : vector<16xi1>, vector<16xi32>
        %swap3A_555 = arith.constant 96 : index
        %swap3A_556 = tpu.vector_load %arg11[%swap3A_555] {strides = array<i32>} : memref<128xi32, #tpu.memory_space<vmem>>, vector<16xi32>,
        %swap3A_557 = vector.shape_cast %swap3A_556 : vector<16xi32> to vector<16xi32>
        %swap3A_558 = vector.shape_cast %select_n3A_554 : vector<16xi32> to vector<16xi32>
        tpu.vector_store %arg11[%swap3A_555], %swap3A_558 {strides = array<i32>} : memref<128xi32, #tpu.memory_space<vmem>>, vector<16xi32>,
        %get3A_559 = arith.constant 112 : index
        %get3A_560 = tpu.vector_load %arg11[%get3A_559] {strides = array<i32>} : memref<128xi32, #tpu.memory_space<vmem>>, vector<16xi32>,
        %get3A_561 = vector.shape_cast %get3A_560 : vector<16xi32> to vector<16xi32>
        %add3A_562 = arith.constant 112 : i32
        %add3A_563 = arith.addi %min3A_383, %add3A_562 : i32
        %iota3A_564 = tpu.iota {dimensions = array<i32: 0>} : vector<16xi32>
        %add3A_565 = vector.broadcast %add3A_563 : i32 to vector<16xi32>
        %add3A_566 = arith.addi %add3A_565, %iota3A_564 : vector<16xi32>
        %ge3A_567 = vector.broadcast %add3A_36 : i32 to vector<16xi32>
        %ge3A_568 = arith.cmpi sge, %add3A_566, %ge3A_567 : vector<16xi32>
        %lt3A_569 = vector.broadcast %add3A_41 : i32 to vector<16xi32>
        %lt3A_570 = arith.cmpi slt, %add3A_566, %lt3A_569 : vector<16xi32>
        %and3A_571 = arith.andi %ge3A_568, %lt3A_570 : vector<16xi1>
        %ge3A_572 = vector.broadcast %add3A_381 : i32 to vector<16xi32>
        %ge3A_573 = arith.cmpi sge, %add3A_566, %ge3A_572 : vector<16xi32>
        %and3A_574 = arith.andi %and3A_571, %ge3A_573 : vector<16xi1>
        %sub3A_575 = vector.broadcast %mul3A_99 : i32 to vector<16xi32>
        %sub3A_576 = arith.subi %get3A_561, %sub3A_575 : vector<16xi32>
        %jit3A_577 = arith.constant 5000 : i32
        %broadcast_in_dim3A_578 = vector.broadcast %jit3A_577 : i32 to vector<16xi32>
        %select_n3A_579 = arith.select %and3A_574, %sub3A_576, %broadcast_in_dim3A_578 : vector<16xi1>, vector<16xi32>
        %swap3A_580 = arith.constant 112 : index
        %swap3A_581 = tpu.vector_load %arg11[%swap3A_580] {strides = array<i32>} : memref<128xi32, #tpu.memory_space<vmem>>, vector<16xi32>,
        %swap3A_582 = vector.shape_cast %swap3A_581 : vector<16xi32> to vector<16xi32>
        %swap3A_583 = vector.shape_cast %select_n3A_579 : vector<16xi32> to vector<16xi32>
        tpu.vector_store %arg11[%swap3A_580], %swap3A_583 {strides = array<i32>} : memref<128xi32, #tpu.memory_space<vmem>>, vector<16xi32>,
        "tpu.region"() ({
          %run_scoped3A = tpu.sem_alloc : memref<!tpu.dma_semaphore, #tpu.memory_space<semaphore_mem>>
          %dma_start3A = arith.constant 0 : i32
          %dma_start3A_584 = arith.constant 0 : i32
          %dma_start3A_585 = tpu.memref_slice %arg7[%dma_start3A, %dma_start3A_584] : memref<5008x128xf32, #tpu.memory_space<vmem_shared>> -> memref<5008x128xf32, #tpu.memory_space<vmem_shared>>
          tpu.enqueue_indirect_dma source(%arg9 : memref<128x128xf32, #tpu.memory_space<vmem>>) target(%dma_start3A_585 : memref<5008x128xf32, #tpu.memory_space<vmem_shared>>) offsets(%arg11 : memref<128xi32, #tpu.memory_space<vmem>>) semaphore(%run_scoped3A : memref<!tpu.dma_semaphore, #tpu.memory_space<semaphore_mem>>) {add = true}
          %dma_wait3A_586 = arith.constant 0 : i32
          %dma_wait3A_587 = arith.constant 0 : i32
          %dma_wait3A_588 = tpu.memref_slice %arg7[%dma_wait3A_586, %dma_wait3A_587] : memref<5008x128xf32, #tpu.memory_space<vmem_shared>> -> memref<5008x128xf32, #tpu.memory_space<vmem_shared>>
          tpu.wait_indirect_dma semaphore(%run_scoped3A : memref<!tpu.dma_semaphore, #tpu.memory_space<semaphore_mem>>) src(%arg9 : memref<128x128xf32, #tpu.memory_space<vmem>>) dst(%dma_wait3A_588 : memref<5008x128xf32, #tpu.memory_space<vmem_shared>>)
          tpu.yield
        }) : () -> ()
      } else {
      }
    }
    %barrier3A_137 = arith.constant 0 : index
    tpu.barrier barrier_id(%barrier3A_137)
    %mul3A_138 = arith.constant 5000 : i32
    %mul3A_139 = arith.muli %arg0, %mul3A_138 : i32
    %add3A_140 = arith.addi %mul3A_139, %min3A_3 : i32
    "tpu.region"() ({
      %run_scoped3A = tpu.sem_alloc : memref<!tpu.dma_semaphore, #tpu.memory_space<semaphore_mem>>
      %dma_start3A = arith.constant 0 : i32
      %dma_start3A_141 = tpu.memref_slice %arg6[%add3A_140, %dma_start3A] : memref<10000x128xf32, #tpu.memory_space<hbm>> -> memref<320x128xf32, #tpu.memory_space<hbm>>
      %dma_start3A_142 = arith.constant 0 : i32
      %dma_start3A_143 = tpu.memref_slice %arg7[%min3A_3, %dma_start3A_142] : memref<5008x128xf32, #tpu.memory_space<vmem_shared>> -> memref<320x128xf32, #tpu.memory_space<vmem_shared>>
      tpu.enqueue_dma source(%dma_start3A_143 : memref<320x128xf32, #tpu.memory_space<vmem_shared>>) target(%dma_start3A_141 : memref<320x128xf32, #tpu.memory_space<hbm>>) target_semaphore(%run_scoped3A : memref<!tpu.dma_semaphore, #tpu.memory_space<semaphore_mem>>)
      %dma_wait3A = arith.constant 0 : i32
      %dma_wait3A_144 = tpu.memref_slice %arg6[%add3A_140, %dma_wait3A] : memref<10000x128xf32, #tpu.memory_space<hbm>> -> memref<320x128xf32, #tpu.memory_space<hbm>>
      %dma_wait3A_145 = arith.constant 0 : i32
      %dma_wait3A_146 = tpu.memref_slice %arg7[%min3A_3, %dma_wait3A_145] : memref<5008x128xf32, #tpu.memory_space<vmem_shared>> -> memref<320x128xf32, #tpu.memory_space<vmem_shared>>
      tpu.wait_dma2 semaphore(%run_scoped3A : memref<!tpu.dma_semaphore, #tpu.memory_space<semaphore_mem>>) src(%dma_wait3A_146 : memref<320x128xf32, #tpu.memory_space<vmem_shared>>) dst(%dma_wait3A_144 : memref<320x128xf32, #tpu.memory_space<hbm>>)
      tpu.yield
    }) : () -> ()
    return
  }
}

</mosaic_0001>

<sc_bundles>
// kernel: kernel.3.cloned.1.call-start
scs
__scs_entry_jumppad:
0x0: {  	(pc) =	sbr.rel $0x88, $3  }
0x1: {  	(tag) =	ssettag $0x0;
	lr =	simm.s32 $0x1  }
0x2: {  	[smem:$0x3F9E] =	sst lr;
	_ =	strace $0xD0000000  }
0x3: {  	_ = 	snop  }
0x4: {  	_ = 	snop  }
0x5: {  	_ = 	snop  }
0x6: {  	_ = 	snop  }
0x7: {  	_ = 	snop  }
__scs_overlays_trampoline_lowered:
0x8: {  	[smem:$0x3FAD] =	sst s0  }
0x9: {  	[smem:$0x3FAE] =	sst s1  }
0xa: {  	[smem:$0x3FAF] =	sst s2  }
0xb: {  	[smem:$0x3FB0] =	sst s3  }
0xc: {  	[smem:$0x3FB1] =	sst s4  }
0xd: {  	[smem:$0x3FB2] =	sst s5  }
0xe: {  	[smem:$0x3FB3] =	sst s6  }
0xf: {  	[smem:$0x3FB4] =	sst s7  }
0x10: {  	[smem:$0x3FB5] =	sst s8  }
0x11: {  	[smem:$0x3FB6] =	sst s9;
	s0 =	simm.s32 @!p0 $0x0  }
0x12: {  	s1 =	sld [smem:$0x3F9C];
	s0 =	simm.s32 @p0 $0x1  }
0x13: {  	[smem:$0x3FB7] =	sst s0;
	s0 =	simm.s32 @!p1 $0x0  }
0x14: {  	s2 =	sld [smem:$0x3F9B];
	s0 =	simm.s32 @p1 $0x1  }
0x15: {  	[smem:$0x3FB8] =	sst s0;
	s0 =	simm.s32 @!p2 $0x0  }
0x16: {  	s3 =	sld [smem:$0x3FDB];
	s0 =	simm.s32 @p2 $0x1  }
0x17: {  	s4 =	simm.s32 $0x1BF5;
	[smem:$0x3FBA] =	sst s0  }
0x18: {  	s0 =	sld [smem:$0x3F9D];
	_ =	swait.ge [sflag:s4], $0x0  }
0x19: {  	s7 =	sld [smem:$0x3F9E]  }
0x1a: {  	s8 =	sadd.s32 $0xFFFFE003, lr  }
0x1b: {  	s9 =	sadd.s32 $0xFFFFFEF7, lr;
	s5 =	simm.s32 $0xFFFFFFFF;
	p2 =	slt.u32 s8, $0xFFFFF086  }
0x1c: {  	p1 =	slt.u32 s9, $0xF7A;
	s5 =	simm.s32 @!p2 $0x0  }
0x1d: {  	s5 =	simm.s32 @p1 $0x1;
	p0 =	seq.s32 s7, s2  }
0x1e: {  	s7 =	smul.u32 @!p0 $0xF7A, s2;
	p2 =	seq.s32 @!p0 s5, $0x0  }
0x1f: {  	s9 =	smul.u32 $0xF7A, s1;
	s8 =	simm.s32 @!p0 $0x1BF5;
	p2 =	por !p2, p0  }
0x20: {  	[sflag:s8] =	ssyncset.s32 @!p0 $0xFFFFF086;
	s6 =	sadd.s32 @!p0 s3, s7;
	s7 =	simm.s32 @!p0 $0x108  }
0x21: {  	s3 =	sadd.s32 s3, s9;
	s6 =	sadd.s32 @!p0 $0x88, s6;
	s7 =	simm.s32 @p2 $0x1082  }
0x22: {  	[simem:s7], [sflag:s8] =	dma.local @!p0 [hbm:s6], $0xF7A  }
0x23: {  	s9 =	sor.u32 $0xD0000000, s2;
	s6 =	simm.s32 $0x108;
	_ =	swait.ge @!p0 [sflag:s8], $0x0  }
0x24: {  	s3 =	sadd.s32 $0x88, s3;
	s6 =	simm.s32 @!p1 $0x1082;
	[sflag:s4] =	ssyncset.s32 $0xFFFFF086  }
0x25: {  	[simem:s6], [sflag:s4] =	dma.local [hbm:s3], $0xF7A  }
0x26: {  	[smem:$0x3F9E] =	sst s1;
	(tag) =	ssettag s2;
	_ =	strace s9  }
0x27: {  	s1 =	sld [smem:$0x3FAE]  }
0x28: {  	s2 =	sld [smem:$0x3FAF]  }
0x29: {  	s4 =	sld [smem:$0x3FB1]  }
0x2a: {  	p0 =	seq.s32 s5, $0x0;
	s5 =	sld [smem:$0x3FB2]  }
0x2b: {  	s6 =	sld [smem:$0x3FB3]  }
0x2c: {  	s7 =	sld [smem:$0x3FB4]  }
0x2d: {  	s3 =	simm.s32 $0x108;
	s8 =	sld [smem:$0x3FB5]  }
0x2e: {  	s3 =	simm.s32 @!p0 $0x1082;
	s9 =	sld [smem:$0x3FB6]  }
0x2f: {  	lr =	sadd.s32 s0, s3;
	s0 =	sld [smem:$0x3FAD]  }
0x30: {  	s3 =	sld [smem:$0x3FB0]  }
0x31: {  	[smem:$0x3FB9] =	sst s10  }
0x32: {  	s10 =	sld [smem:$0x3FB7];
	_ =	sdelay $0x3  }
0x33: {  	p0 =	seq.s32 s10, $0x1;
	s10 =	sld [smem:$0x3FB9];
	_ =	sdelay $0x3  }
0x34: {  	[smem:$0x3FB9] =	sst s10  }
0x35: {  	s10 =	sld [smem:$0x3FB8];
	_ =	sdelay $0x3  }
0x36: {  	p1 =	seq.s32 s10, $0x1;
	s10 =	sld [smem:$0x3FB9];
	_ =	sdelay $0x3  }
0x37: {  	[smem:$0x3FB9] =	sst s10  }
0x38: {  	s10 =	sld [smem:$0x3FBA]  }
0x39: {  	_ = 	snop;
	(pc) =	sbr.ind lr, $3  }
0x3a: {  	_ = 	snop  }
0x3b: {  	_ = 	snop  }
0x3c: {  	p2 =	seq.s32 s10, $0x1;
	s10 =	sld [smem:$0x3FB9]  }
0x3d: {  	_ =	shalt  }
0x3e: {  	_ =	shalt  }
0x3f: {  	_ =	shalt  }
0x40: {  	_ =	shalt  }
0x41: {  	_ =	shalt  }
0x42: {  	_ =	shalt  }
0x43: {  	_ =	shalt  }
0x44: {  	_ =	shalt  }
0x45: {  	_ =	shalt  }
0x46: {  	_ =	shalt  }
0x47: {  	_ =	shalt  }
0x48: {  	_ =	shalt  }
0x49: {  	_ =	shalt  }
0x4a: {  	_ =	shalt  }
0x4b: {  	_ =	shalt  }
0x4c: {  	_ =	shalt  }
0x4d: {  	_ =	shalt  }
0x4e: {  	_ =	shalt  }
0x4f: {  	_ =	shalt  }
0x50: {  	_ =	shalt  }
0x51: {  	_ =	shalt  }
0x52: {  	_ =	shalt  }
0x53: {  	_ =	shalt  }
0x54: {  	_ =	shalt  }
0x55: {  	_ =	shalt  }
0x56: {  	_ =	shalt  }
0x57: {  	_ =	shalt  }
0x58: {  	_ =	shalt  }
0x59: {  	_ =	shalt  }
0x5a: {  	_ =	shalt  }
0x5b: {  	_ =	shalt  }
0x5c: {  	_ =	shalt  }
0x5d: {  	_ =	shalt  }
0x5e: {  	_ =	shalt  }
0x5f: {  	_ =	shalt  }
0x60: {  	_ =	shalt  }
0x61: {  	_ =	shalt  }
0x62: {  	_ =	shalt  }
0x63: {  	_ =	shalt  }
0x64: {  	_ =	shalt  }
0x65: {  	_ =	shalt  }
0x66: {  	_ =	shalt  }
0x67: {  	_ =	shalt  }
0x68: {  	_ =	shalt  }
0x69: {  	_ =	shalt  }
0x6a: {  	_ =	shalt  }
0x6b: {  	_ =	shalt  }
0x6c: {  	_ =	shalt  }
0x6d: {  	_ =	shalt  }
0x6e: {  	_ =	shalt  }
0x6f: {  	_ =	shalt  }
0x70: {  	_ =	shalt  }
0x71: {  	_ =	shalt  }
0x72: {  	_ =	shalt  }
0x73: {  	_ =	shalt  }
0x74: {  	_ =	shalt  }
0x75: {  	_ =	shalt  }
0x76: {  	_ =	shalt  }
0x77: {  	_ =	shalt  }
0x78: {  	_ =	shalt  }
0x79: {  	_ =	shalt  }
0x7a: {  	_ =	shalt  }
0x7b: {  	_ =	shalt  }
0x7c: {  	_ =	shalt  }
0x7d: {  	_ =	shalt  }
0x7e: {  	_ =	shalt  }
0x7f: {  	_ =	shalt  }
0x80: {  	_ =	shalt  }
0x81: {  	_ =	shalt  }
0x82: {  	_ =	shalt  }
0x83: {  	_ =	shalt  }
0x84: {  	_ =	shalt  }
0x85: {  	_ =	shalt  }
0x86: {  	_ =	shalt  }
0x87: {  	_ =	shalt  }
.Lfunc_end0:
.L_simem_size_0:
called_computation_lowered:
.L_overlay_start_0:
0x88: {  	s2 =	sld [smem:$0x3FD9]  }
0x89: {  	s3 =	sld [smem:$0x3FFE];
	_ =	sdelay $0x1  }
0x8a: {  	s1 =	srdreg.scid  }
0x8b: {  	s0 =	sand.u32 $0x1, s1  }
0x8c: {  	s17 =	sshll.u32 s0, $0xA;
	s2 =	sadd.s32 s3, s2  }
0x8d: {  	s2 =	sadd.s32 s2, s17  }
0x8e: {  	[smem:$0x3FC5] =	sst s2  }
0x8f: {  	_ = 	snop  }
0x90: {  	s2 =	sld [smem:$0x3FC9]  }
0x91: {  	s18 =	sld [smem:$0x3FC8]  }
0x92: {  	s4 =	sld [smem:$0x3FC7]  }
0x93: {  	s5 =	sld [smem:$0x3FD0];
	(tm) =	ssettm $0x1  }
0x94: {  	s6 =	sld [smem:$0x3FFB];
	_ =	sdelay $0x3  }
0x95: {  	_ =	strace s6  }
0x96: {  	s6 =	sld [smem:$0x3FFC];
	_ =	sdelay $0x3  }
0x97: {  	_ =	strace s6  }
0x98: {  	s6 =	sld [smem:$0x3FFD];
	_ =	sdelay $0x3  }
0x99: {  	_ =	strace s6  }
0x9a: {  	_ =	strace $0x8FFFFFFF  }
0x9b: {  	s19 =	sld [smem:$0x3FDB];
	_ =	sdelay $0x1  }
0x9c: {  	s7 =	simm.s32 $_scs_section_size  }
0x9d: {  	s8 =	simm.s32 $_size__tile_overlayer_lowered;
	s9 =	simm.s32 $_tile_overlayer_lowered  }
0x9e: {  	s22 =	simm.s32 $0x1BFF;
	s21 =	sshll.u32 s9, $0x1;
	s6 =	sadd.s32 s7, s19  }
0x9f: {  	s10 =	simm.s32 $0x0;
	s20 =	sshll.u32 s8, $0x1;
	s8 =	sadd.s32 s21, s6  }
0xa0: {  	[timem:s10], [sflag:s22] =	dma.local [hbm:s8], s20  }
0xa1: {  	_ =	swait.ge [sflag:s22], s20  }
0xa2: {  	s7 =	ssub.s32 $0x0, s20;
	[sflag:s22] =	ssyncset.done $0x0  }
0xa3: {  	[sflag:s22] =	ssyncadd.s32 s7;
	_ =	sdelay $0x1  }
0xa4: {  	s23 =	simm.s32 $0x1B8B  }
0xa5: {  	_ =	swait.ge [sflag:s23], $0x1  }
0xa6: {  	[sflag:s23] =	ssyncset.done $0x0  }
0xa7: {  	s25 =	simm.s32 $0x1B8E;
	s24 =	sld [smem:$0x3FFE];
	[sflag:s23] =	ssyncadd.s32 $0xFFFFFFFF  }
0xa8: {  	s26 =	simm.s32 $execute0_lowered;
	[smem:$0x3FD2] =	sst s25  }
0xa9: {  	s8 =	sshll.u32 s26, $0x1;
	_ =	strace $0x80000046;
	[dreg:$0x1] =	wrdreg $0xFFFFFFFF  }
0xaa: {  	s28 =	simm.s32 $_size_execute0_lowered;
	s6 =	sadd.s32 s6, s8;
	[dreg:$0x0] =	wrdreg $0x0  }
0xab: {  	s8 =	sshll.u32 s28, $0x1;
	[dreg:$0x2] =	wrdreg s6  }
0xac: {  	[dreg:$0x3] =	wrdreg s8  }
0xad: {  	[dreg:$0x4] =	wrdreg $0xC0  }
0xae: {  	_ =	task [dreg:s10], $0x5FFFF  }
0xaf: {  	[dreg:$0x1] =	wrdreg $0xFFFFFFFF  }
0xb0: {  	[dreg:$0x0] =	wrdreg $0x60  }
0xb1: {  	[dreg:$0x2] =	wrdreg s2  }
0xb2: {  	[dreg:$0x3] =	wrdreg s18  }
0xb3: {  	[dreg:$0x4] =	wrdreg s4  }
0xb4: {  	[dreg:$0x5] =	wrdreg s24  }
0xb5: {  	[dreg:$0x6] =	wrdreg s5  }
0xb6: {  	[dreg:$0x7] =	wrdreg $0x0  }
0xb7: {  	[dreg:$0x8] =	wrdreg $0x9  }
0xb8: {  	_ =	task.clear_ibuf [dreg:s10], $0x9FFFF;
	_ =	strace $0x90000046  }
0xb9: {  	s29 =	simm.s32 $0x9;
	_ =	strace $0x80000048  }
0xba: {  	_ =	swait.ge [sflag:s29], $0x1  }
0xbb: {  	[sflag:s29] =	ssyncadd.s32 $0xFFFFFFFF  }
0xbc: {  	_ =	strace $0x90000048  }
0xbd: {  	_ =	sfence  }
0xbe: {  	s30 =	sld [smem:$0x0];
	_ =	sdelay $0x2  }
0xbf: {  	s31 =	sshll.u32 s1, $0xD;
	s1 =	sshrl.u32 s1, $0x2  }
0xc0: {  	s3 =	sand.u32 $0x4000, s31;
	s1 =	sadd.s32 s1, s30  }
0xc1: {  	s0 =	sor.u32 s3, s0;
	s1 =	sshll.u32 s1, $0x11  }
0xc2: {  	s0 =	sor.u32 s1, s0  }
0xc3: {  	s0 =	sadd.s32 $0x8F2B, s0  }
0xc4: {  	[sflag:s0] =	ssyncadd.remote.s32 $0x1  }
0xc5: {  	_ =	sfence.sel $0xFFFF  }
0xc6: {  	[dreg:$0x0] =	wrdreg $0xFFFFFFFF;
	(pc) =	sbr.abs _section_cstart, $3  }
0xc7: {  	[dreg:$0x1] =	wrdreg $0xFFFFFFFF  }
0xc8: {  	_ =	task.clear_ibuf [dreg:s10], $0x2FFFF;
	_ =	strace $0x9FFFFFFF  }
0xc9: {  	(tm) =	ssettm $0x7FFFFFFF  }
tec
execute0_lowered:
.L_overlay_start_1:
0x0: {  	(tag) =	ssettag $0x1  }
0x1: {  	s7 =	rddreg [dreg:$0x0]  }
0x2: {  	s1 =	rddreg [dreg:$0x1]  }
0x3: {  	s2 =	rddreg [dreg:$0x2]  }
0x4: {  	s6 =	rddreg [dreg:$0x3]  }
0x5: {  	s9 =	rddreg [dreg:$0x4]  }
0x6: {  	s4 =	rddreg [dreg:$0x5];
	s8 =	srdreg.scid  }
0x7: {  	s3 =	stileid.u32;
	s5 =	simm.s32 $0x0;
	s15 =	simm.s32 $0x1  }
0x8: {  	s16 =	simm.s32 $0x80;
	s17 =	simm.s32 $0x11C80;
	s18 =	simm.s32 $0x9C80  }
0x9: {  	s19 =	simm.s32 $0x4;
	s20 =	simm.s32 $0x2;
	s22 =	simm.s32 $0xDC80  }
0xa: {  	s23 =	simm.s32 $0x0;
	s11 =	sand.u32 $0x1, s8;
	s30 =	smul.u32 $0x140, s3  }
0xb: {  	[smem:$0x7FF] =	sst s5;
	s6 =	sadd.s32 $0x600, s6;
	s31 =	sshll.u32 s3, $0x6  }
0xc: {  	s21 =	smul.u32 $0x1388, s11;
	_ =	strace $0x80000047;
	s10 =	ssub.s32 $0x2, s11  }
0xd: {  	p0 =	seq.s32 s11, $0x0;
	s11 =	simm.s32 $0x11D80;
	s8 =	smin.u32 s30, $0x1248  }
.Ltmp0:
0xe: {  	s13 =	sshrl.u32 s10, $0x1;
	s12 =	sadd.s32 s21, s8;
	(pc) =	sbr.rel .LBB2_1-.Ltmp0, $4  }
0xf: {  	s8 =	sshll.u32 s8, $0x7;
	s10 =	ssub.s32 s10, s13;
	s13 =	sor.u32 $0x1C03, s31  }
0x10: {  	v0 =	vmov s21;
	s21 =	simm.s32 $0x11D00;
	s12 =	sshll.u32 s12, $0x4;
	s14 =	sadd.s32 s8, s4  }
0x11: {  	s8 =	sadd.s32 $0x1, s3;
	s10 =	smax.u32 s10, $0x1;
	s7 =	sadd.s32 s7, s12  }
0x12: {  	v1 =	vlaneseq.u32;
	s9 =	sadd.s32 s9, s12;
	s12 =	simm.s32 $0x3;
	s14 =	sshrl.u32 s14, $0x3  }
.LBB2_6:
0x13: {  	s23 =	sadd.s32 $0x1, s23  }
0x14: {  	p1 =	sne.s32 s23, s10  }
.Ltmp1:
0x15: {  	[bflag:$0x0] =	sbarrier.arrive $0xFFFF;
	(pc) =	sbr.rel @!p1 .LBB2_7-.Ltmp1, $4  }
0x16: {  	[hbm:s9], [sflag:s13] =	dma.local [spmem:s14], $0x1400  }
0x17: {  	_ =	swait.ge [sflag:s12], $0x1400  }
0x18: {  	[sflag:s12] =	ssyncset.done $0x0  }
0x19: {  	[sflag:s12] =	ssyncadd.s32 $0xFFFFEC00  }
.LBB2_1:
0x1a: {  	[tilespmem:s11], [sflag:$0x3] =	stream.linear.gather [hbm4b:s6+s5], $0x80, $0x38;
	[tilespmem:$0x11E00] =	vst v63  }
0x1b: {  	_ =	swait.ge [sflag:s12], $0x80  }
0x1c: {  	[sflag:s12] =	ssyncset.done $0x0  }
0x1d: {  	[sflag:s12] =	ssyncadd.s32 $0xFFFFFF80  }
0x1e: {  	v2 =	vld [tilespmem:$0x11D80];
	_ =	sdelay $0x4  }
0x1f: {  	(v2sf) =	vpush v2, $0x0;
	_ =	sdelay $0xe  }
0x20: {  	s24 =	spop (v2sf)  }
0x21: {  	s25 =	ssub.s32 $0x4E200, s24  }
0x22: {  	s25 =	smov.u32 @p0 s24  }
0x23: {  	s26 =	sadd.s32 $0xF, s25  }
0x24: {  	s28 =	sand.u32 $0xF, s26  }
0x25: {  	s29 =	sshra.s32 s26, $0x1F;
	p1 =	slt.s32 s26, $0x1;
	p2 =	sne.s32 s28, $0x0  }
0x26: {  	s28 =	sshrl.u32 s29, $0x1C;
	p1 =	por !p1, !p2  }
0x27: {  	s26 =	sadd.s32 s28, s26;
	s28 =	simm.s32 $0x1;
	p1 =	por !p1, !p1  }
0x28: {  	s26 =	sshra.s32 s26, $0x4;
	s28 =	simm.s32 @!p1 $0x0  }
0x29: {  	s28 =	ssub.s32 s26, s28  }
0x2a: {  	s26 =	smul.u32 s3, s28  }
0x2b: {  	[spmem:s14], [sflag:s13] =	dma.local [hbm:s7], $0x1400  }
0x2c: {  	s29 =	smov.u32 s25;
	p1 =	slt.s32 s26, s25  }
0x2d: {  	s24 =	simm.s32 @p0 $0x0;
	s29 =	smov.u32 @p1 s26  }
0x2e: {  	s26 =	sadd.s32 s24, s29  }
0x2f: {  	s29 =	sand.u32 $0x7, s26  }
0x30: {  	s30 =	sshra.s32 s26, $0x1F;
	p3 =	slt.s32 s26, $0x1;
	p4 =	sne.s32 s29, $0x0  }
0x31: {  	s28 =	smul.u32 s8, s28;
	s29 =	sshrl.u32 s30, $0x1D;
	p1 =	por !p3, !p4  }
0x32: {  	s30 =	simm.s32 $0x1;
	s29 =	sadd.s32 s29, s26;
	p1 =	por !p1, !p1  }
0x33: {  	p2 =	slt.s32 s28, s25;
	s29 =	sshrl.u32 s29, $0x3;
	s30 =	simm.s32 @!p1 $0x0  }
0x34: {  	s25 =	smov.u32 @p2 s28;
	s29 =	ssub.s32 s29, s30  }
0x35: {  	s28 =	sadd.s32 s24, s25;
	s24 =	sshll.u32 s29, $0x3  }
0x36: {  	s25 =	ssub.s32 s28, s24  }
0x37: {  	s25 =	sadd.s32 $0x7F, s25  }
0x38: {  	s29 =	sand.u32 $0x7F, s25  }
0x39: {  	s0 =	sshra.s32 s25, $0x1F;
	p5 =	slt.s32 s25, $0x1;
	p6 =	sne.s32 s29, $0x0  }
0x3a: {  	s29 =	sshrl.u32 s0, $0x19;
	p1 =	por !p5, !p6  }
0x3b: {  	s25 =	sadd.s32 s29, s25;
	s29 =	simm.s32 $0x1;
	p1 =	por !p1, !p1  }
0x3c: {  	s25 =	sshra.s32 s25, $0x7;
	s29 =	simm.s32 @!p1 $0x0  }
0x3d: {  	s25 =	ssub.s32 s25, s29  }
0x3e: {  	p1 =	slt.s32 s25, $0x1  }
0x3f: {  	_ =	swait.ge [sflag:s12], $0x1400;
	p2 =	slt.s32 @!p1 s24, $0x4E180  }
0x40: {  	[sflag:s12] =	ssyncset.done $0x0;
	s29 =	smov.u32 s24;
	p2 =	por !p2, p1  }
0x41: {  	[sflag:s12] =	ssyncadd.s32 $0xFFFFEC00;
	s29 =	simm.s32 @p2 $0x4E180  }
0x42: {  	[bflag:$0x0] =	sbarrier.arrive $0xFFFF;
	s30 =	sshll.u32 @!p1 s29, $0x4  }
0x43: {  	s31 =	simm.s32 @!p1 $0x0;
	s0 =	simm.s32 @!p1 $0x9C80;
	s30 =	sadd.s32 @!p1 s1, s30  }
0x44: {  	[tilespmem:s0], [sflag:$0x1] =	stream.linear.gather @!p1 [hbm4b:s30+s31], $0x4000, $0x38;
	[tilespmem:$0x11E00] =	vst v63  }
0x45: {  	p2 =	sgt.s32 s25, $0x0;
	s0 =	sshrl.u32 @!p1 s29, $0x3  }
0x46: {  	s25 =	simm.s32 @!p2 $0x0;
	s29 =	simm.s32 @!p1 $0x11C80;
	s0 =	sadd.s32 @!p1 s2, s0  }
0x47: {  	[tilespmem:s29], [sflag:$0x1] =	stream.linear.gather @!p1 [hbm4b:s0+s31], $0x80, $0x38;
	[tilespmem:$0x11E00] =	vst v63  }
0x48: {  	s31 =	sadd.s32 $0x1, s25  }
0x49: {  	s29 =	sshrl.u32 s31, $0x1  }
0x4a: {  	p1 =	seq.s32 s29, $0x0  }
.Ltmp2:
0x4b: {  	_ = 	snop;
	(pc) =	sbr.rel @p1 .LBB2_6-.Ltmp2, $1  }
0x4c: {  	_ =	sdelay $0x3  }
.Ltmp3:
0x4d: {  	(pc) =	sbr.rel .LBB2_3-.Ltmp3, $2  }
0x4e: {  	_ =	sdelay $0x2  }
0x4f: {  	v2 =	vmov s26;
	v3 =	vmov s28;
	s26 =	sshll.u32 s29, $0x1;
	s28 =	simm.s32 $0x0  }
.LBB2_5:
0x50: {  	p1 =	sne.s32 s26, s28  }
.Ltmp4:
0x51: {  	_ = 	snop;
	(pc) =	sbr.rel @!p1 .LBB2_6-.Ltmp4, $2  }
0x52: {  	_ =	sdelay $0x2  }
0x53: {  	s24 =	sadd.s32 $0x100, s24  }
.LBB2_3:
0x54: {  	s0 =	sadd.s32 $0x1, s28  }
0x55: {  	p1 =	sge.u32 s0, s25  }
0x56: {  	s0 =	sadd.s32 @!p1 $0x80, s24  }
0x57: {  	p2 =	slt.s32 @!p1 s0, $0x4E180  }
0x58: {  	p2 =	por !p2, p1  }
0x59: {  	s0 =	simm.s32 @p2 $0x4E180  }
0x5a: {  	s30 =	simm.s32 @!p1 $0x0;
	s29 =	sshll.u32 @!p1 s0, $0x4  }
0x5b: {  	s31 =	simm.s32 @!p1 $0xDC80;
	s0 =	sshrl.u32 @!p1 s0, $0x3;
	s29 =	sadd.s32 @!p1 s1, s29  }
0x5c: {  	[tilespmem:s31], [sflag:$0x2] =	stream.linear.gather @!p1 [hbm4b:s29+s30], $0x4000, $0x38;
	[tilespmem:$0x11E00] =	vst v63  }
0x5d: {  	s0 =	sadd.s32 @!p1 s2, s0;
	s29 =	simm.s32 @!p1 $0x11D00  }
0x5e: {  	[tilespmem:s29], [sflag:$0x2] =	stream.linear.gather @!p1 [hbm4b:s0+s30], $0x80, $0x38;
	[tilespmem:$0x11E00] =	vst v63  }
0x5f: {  	_ =	swait.ge [sflag:s15], $0x4000  }
0x60: {  	p2 =	slt.s32 s24, $0x4E180;
	s29 =	smov.u32 s24;
	[sflag:s15] =	ssyncset.done $0x0  }
0x61: {  	s29 =	simm.s32 @!p2 $0x4E180;
	[sflag:s15] =	ssyncadd.s32 $0xFFFFC000  }
0x62: {  	v5 =	vadd.s32 s29, v1;
	_ =	swait.ge [sflag:s15], $0x80  }
0x63: {  	s31 =	sadd.s32 $0x10, s29;
	vm0 =	vge.s32 v5, v2;
	vm1 =	vge.s32 v5, s24;
	[sflag:s15] =	ssyncset.done $0x0  }
0x64: {  	vm2 =	vlt.s32 v5, v3;
	v5 =	vadd.s32 s31, v1;
	vm0 =	vmand vm0, vm1;
	[sflag:s15] =	ssyncadd.s32 $0xFFFFFF80  }
0x65: {  	s30 =	sadd.s32 $0x20, s29;
	s31 =	sadd.s32 $0x30, s29;
	vm4 =	vge.s32 v5, v2;
	vm5 =	vge.s32 v5, s24;
	vm6 =	vlt.s32 v5, v3;
	v4 =	vld [tilespmem:$0x11C80]  }
0x66: {  	v5 =	vadd.s32 s30, v1;
	v8 =	vadd.s32 s31, v1;
	vm0 =	vmand vm0, vm2;
	v6 =	vld [tilespmem:$0x11C90]  }
0x67: {  	vm1 =	vmand vm4, vm5;
	vm8 =	vge.s32 v5, v2;
	vm9 =	vge.s32 v5, s24;
	v7 =	vld [tilespmem:$0x11CA0]  }
0x68: {  	s30 =	sadd.s32 $0x40, s29;
	s31 =	sadd.s32 $0x50, s29;
	vm10 =	vlt.s32 v5, v3;
	vm11 =	vge.s32 v8, v2;
	vm12 =	vge.s32 v8, s24;
	v5 =	vld [tilespmem:$0x11CB0]  }
0x69: {  	vm13 =	vlt.s32 v8, v3;
	v59 =	vadd.s32 s30, v1;
	v60 =	vadd.s32 s31, v1;
	v9 =	vld [tilespmem:$0x11CC0]  }
0x6a: {  	vm7 =	vmand vm1, vm6;
	vm1 =	vmand vm8, vm9;
	vm14 =	vge.s32 v59, v2  }
0x6b: {  	s30 =	sadd.s32 $0x60, s29;
	s31 =	sadd.s32 $0x70, s29;
	vm15 =	vge.s32 v59, s24;
	vm4 =	vlt.s32 v59, v3;
	vm6 =	vge.s32 v60, v2  }
0x6c: {  	vm8 =	vlt.s32 v60, v3;
	v62 =	vadd.s32 s30, v1;
	v63 =	vadd.s32 s31, v1  }
0x6d: {  	v10 =	vld [tilespmem:$0x11CD0];
	vm9 =	vge.s32 v62, v2;
	v4 =	vsub.s32 v4, v0;
	v6 =	vsub.s32 v6, v0  }
0x6e: {  	v7 =	vsub.s32 v7, v0;
	v5 =	vsub.s32 v5, v0;
	v9 =	vsub.s32 v9, v0  }
0x6f: {  	v4 =	vnsel vm0, $0x1388, v4;
	v6 =	vnsel vm7, $0x1388, v6;
	vm0 =	vmand vm1, vm10  }
0x70: {  	vm1 =	vmand vm14, vm15;
	vm7 =	vge.s32 v60, s24;
	vm10 =	vge.s32 v62, s24  }
0x71: {  	v61 =	vld [tilespmem:$0x11CE0];
	vm14 =	vlt.s32 v63, v3;
	v7 =	vnsel vm0, $0x1388, v7;
	vm0 =	vmand vm11, vm12  }
0x72: {  	v11 =	vld [tilespmem:$0x11CF0];
	vm5 =	vmand vm1, vm4;
	vm1 =	vmand vm6, vm7;
	[tilespmem:$0x11C80] =	vst v4;
	v4 =	vsub.s32 v10, v0  }
0x73: {  	[tilespmem:$0x11C90] =	vst v6;
	vm11 =	vlt.s32 v62, v3;
	vm12 =	vge.s32 v63, v2;
	vm0 =	vmand vm0, vm13  }
0x74: {  	s28 =	sadd.s32 $0x2, s28;
	v9 =	vnsel vm5, $0x1388, v9;
	[tilespmem:$0x11CA0] =	vst v7;
	v5 =	vnsel vm0, $0x1388, v5;
	vm0 =	vmand vm1, vm8  }
0x75: {  	p2 =	sge.u32 s28, s25;
	vm13 =	vge.s32 v63, s24;
	[tilespmem:$0x11CC0] =	vst v9;
	v4 =	vnsel vm0, $0x1388, v4;
	vm0 =	vmand vm9, vm10  }
0x76: {  	s0 =	sadd.s32 @!p2 $0x100, s24;
	vm1 =	vmand vm12, vm13;
	[tilespmem:$0x11CB0] =	vst v5;
	v5 =	vsub.s32 v61, v0;
	vm0 =	vmand vm0, vm11  }
0x77: {  	p3 =	slt.s32 @!p2 s0, $0x4E180;
	vm15 =	vmand vm1, vm14;
	[tilespmem:$0x11CD0] =	vst v4;
	v4 =	vnsel vm0, $0x1388, v5;
	v5 =	vsub.s32 v11, v0  }
0x78: {  	p3 =	por !p3, p2;
	[tilespmem:$0x11CE0] =	vst v4;
	v4 =	vnsel vm15, $0x1388, v5  }
0x79: {  	s0 =	simm.s32 @p3 $0x4E180;
	[tilespmem:$0x11CF0] =	vst v4  }
0x7a: {  	[spmem:s4] =	stream.indirect.scatter.add.f32 [tilespmem:s18], [sflag:$0x4], $0x80, s17, s16, $0xb8;
	[tilespmem:$0x11E00] =	vst v63  }
0x7b: {  	s29 =	sshll.u32 @!p2 s0, $0x4;
	s30 =	simm.s32 @!p2 $0x0;
	_ =	swait.ge [sflag:s19], $0x4000  }
.Ltmp5:
0x7c: {  	s31 =	simm.s32 @!p2 $0x9C80;
	[sflag:s19] =	ssyncset.done $0x0;
	(pc) =	sbr.rel @p1 .LBB2_5-.Ltmp5, $4  }
0x7d: {  	s0 =	sshrl.u32 @!p2 s0, $0x3;
	s29 =	sadd.s32 @!p2 s1, s29;
	[sflag:s19] =	ssyncadd.s32 $0xFFFFC000  }
0x7e: {  	[tilespmem:s31], [sflag:$0x1] =	stream.linear.gather @!p2 [hbm4b:s29+s30], $0x4000, $0x38;
	[tilespmem:$0x11E00] =	vst v63  }
0x7f: {  	s0 =	sadd.s32 @!p2 s2, s0;
	s29 =	simm.s32 @!p2 $0x11C80  }
0x80: {  	[tilespmem:s29], [sflag:$0x1] =	stream.linear.gather @!p2 [hbm4b:s0+s30], $0x80, $0x38;
	[tilespmem:$0x11E00] =	vst v63  }
0x81: {  	_ =	swait.ge [sflag:s20], $0x4000;
	s29 =	sadd.s32 $0x80, s24  }
0x82: {  	[sflag:s20] =	ssyncset.done $0x0;
	p1 =	slt.s32 s29, $0x4E180;
	s30 =	smov.u32 s29  }
0x83: {  	[sflag:s20] =	ssyncadd.s32 $0xFFFFC000;
	s30 =	simm.s32 @!p1 $0x4E180  }
0x84: {  	_ =	swait.ge [sflag:s20], $0x80;
	v5 =	vadd.s32 s30, v1  }
0x85: {  	s0 =	sadd.s32 $0x10, s30;
	[sflag:s20] =	ssyncset.done $0x0;
	vm0 =	vge.s32 v5, v2;
	vm1 =	vge.s32 v5, s29  }
0x86: {  	vm2 =	vlt.s32 v5, v3;
	v5 =	vadd.s32 s0, v1;
	[sflag:s20] =	ssyncadd.s32 $0xFFFFFF80;
	vm0 =	vmand vm0, vm1  }
0x87: {  	s31 =	sadd.s32 $0x20, s30;
	vm4 =	vge.s32 v5, v2;
	vm5 =	vge.s32 v5, s29;
	vm6 =	vlt.s32 v5, v3;
	v4 =	vld [tilespmem:$0x11D00]  }
0x88: {  	v5 =	vadd.s32 s31, v1;
	v6 =	vld [tilespmem:$0x11D10];
	vm0 =	vmand vm0, vm2;
	vm1 =	vmand vm4, vm5  }
0x89: {  	s31 =	sadd.s32 $0x30, s30;
	v7 =	vld [tilespmem:$0x11D20];
	vm8 =	vge.s32 v5, v2;
	vm9 =	vge.s32 v5, s29;
	vm10 =	vlt.s32 v5, v3  }
0x8a: {  	v5 =	vld [tilespmem:$0x11D30];
	v8 =	vadd.s32 s31, v1;
	s31 =	sadd.s32 $0x40, s30;
	vm7 =	vmand vm1, vm6;
	vm1 =	vmand vm8, vm9  }
0x8b: {  	v9 =	vld [tilespmem:$0x11D40];
	vm11 =	vge.s32 v8, v2;
	vm12 =	vge.s32 v8, s29;
	v59 =	vadd.s32 s31, v1;
	s31 =	sadd.s32 $0x50, s30  }
0x8c: {  	vm13 =	vlt.s32 v8, v3;
	vm14 =	vge.s32 v59, v2;
	v60 =	vadd.s32 s31, v1;
	s31 =	sadd.s32 $0x60, s30  }
0x8d: {  	vm15 =	vge.s32 v59, s29;
	vm4 =	vlt.s32 v59, v3;
	v62 =	vadd.s32 s31, v1  }
0x8e: {  	vm6 =	vge.s32 v60, v2;
	vm8 =	vlt.s32 v60, v3;
	s31 =	sadd.s32 $0x70, s30;
	vm9 =	vge.s32 v62, v2  }
0x8f: {  	v10 =	vld [tilespmem:$0x11D50];
	v63 =	vadd.s32 s31, v1;
	v4 =	vsub.s32 v4, v0;
	v6 =	vsub.s32 v6, v0  }
0x90: {  	v7 =	vsub.s32 v7, v0;
	v5 =	vsub.s32 v5, v0;
	v9 =	vsub.s32 v9, v0  }
0x91: {  	v4 =	vnsel vm0, $0x1388, v4;
	v6 =	vnsel vm7, $0x1388, v6;
	vm0 =	vmand vm1, vm10  }
0x92: {  	vm1 =	vmand vm14, vm15;
	vm7 =	vge.s32 v60, s29;
	vm10 =	vge.s32 v62, s29  }
0x93: {  	v61 =	vld [tilespmem:$0x11D60];
	vm14 =	vlt.s32 v63, v3;
	v7 =	vnsel vm0, $0x1388, v7;
	vm0 =	vmand vm11, vm12  }
0x94: {  	v11 =	vld [tilespmem:$0x11D70];
	vm5 =	vmand vm1, vm4;
	vm1 =	vmand vm6, vm7;
	[tilespmem:$0x11D00] =	vst v4;
	v4 =	vsub.s32 v10, v0  }
0x95: {  	[tilespmem:$0x11D10] =	vst v6;
	vm11 =	vlt.s32 v62, v3;
	vm12 =	vge.s32 v63, v2;
	vm0 =	vmand vm0, vm13  }
0x96: {  	v9 =	vnsel vm5, $0x1388, v9;
	[tilespmem:$0x11D20] =	vst v7;
	v5 =	vnsel vm0, $0x1388, v5;
	vm0 =	vmand vm1, vm8  }
0x97: {  	vm13 =	vge.s32 v63, s29;
	[tilespmem:$0x11D40] =	vst v9;
	v4 =	vnsel vm0, $0x1388, v4;
	vm0 =	vmand vm9, vm10  }
0x98: {  	vm1 =	vmand vm12, vm13;
	[tilespmem:$0x11D30] =	vst v5;
	v5 =	vsub.s32 v61, v0;
	vm0 =	vmand vm0, vm11  }
0x99: {  	vm15 =	vmand vm1, vm14;
	[tilespmem:$0x11D50] =	vst v4;
	v4 =	vnsel vm0, $0x1388, v5;
	v5 =	vsub.s32 v11, v0  }
0x9a: {  	[tilespmem:$0x11D60] =	vst v4;
	v4 =	vnsel vm15, $0x1388, v5  }
.Ltmp6:
0x9b: {  	[tilespmem:$0x11D70] =	vst v4;
	(pc) =	sbr.rel .LBB2_5-.Ltmp6, $4  }
0x9c: {  	[spmem:s4] =	stream.indirect.scatter.add.f32 [tilespmem:s22], [sflag:$0x3], $0x80, s21, s16, $0xb8;
	[tilespmem:$0x11E00] =	vst v63  }
0x9d: {  	_ =	swait.ge [sflag:s12], $0x4000  }
0x9e: {  	[sflag:s12] =	ssyncset.done $0x0  }
0x9f: {  	[sflag:s12] =	ssyncadd.s32 $0xFFFFC000  }
.LBB2_7:
0xa0: {  	_ =	sfence.sel $0x180000  }
0xa1: {  	[bflag:$0x0] =	sbarrier.arrive $0xFFFF  }
0xa2: {  	_ =	strace $0x90000047  }
0xa3: {  	[bflag:$0x2] =	sbarrier.arrive $0xFFFF  }
0xa4: {  	p0 =	sne.s32 s3, $0x0;
	s0 =	rddreg [dreg:$0x6]  }
0xa5: {  	s0 =	sadd.s32 @!p0 $0x100000, s0  }
0xa6: {  	[sflag:s0] =	ssyncadd.tile.s32 @!p0 $0x1;
	_ =	shalt  }
.Lfunc_end2:
_tile_overlayer_lowered:
.L_overlay_start_2:
0xa7: {  	(tag) =	ssettag $0x2  }
0xa8: {  	s0 =	rddreg [dreg:$0x0];
	s2 =	stileid.u32  }
0xa9: {  	s1 =	rddreg [dreg:$0x1];
	p0 =	sne.s32 s2, $0x0  }
0xaa: {  	s3 =	rddreg [dreg:$0x2];
	[bflag:$0x3] =	sbarrier.arrive $0xFFFF;
	s2 =	simm.s32 @!p0 $0x1C03  }
0xab: {  	[timem:s3], [sflag:s2] =	dma.local @!p0 [hbm:s0], s1  }
0xac: {  	s0 =	simm.s32 @!p0 $0x3  }
0xad: {  	_ =	swait.ge @!p0 [sflag:s0], s1  }
0xae: {  	s1 =	ssub.s32 @!p0 $0x0, s1;
	[sflag:s0] =	ssyncset.done @!p0 $0x0  }
0xaf: {  	[sflag:s0] =	ssyncadd.s32 @!p0 s1  }
0xb0: {  	[bflag:$0x3] =	sbarrier.arrive $0xFFFF  }
0xb1: {  	_ =	shalt  }

</sc_bundles>
